<compile_context>
chip_gen: v7x
topology: tpu7x:2x2x1
jax: 0.10.2.dev20260603
libtpu: 0.0.44.dev20260713+nightly
codegen_flags: <defaults>
</compile_context>

<pallas_src>
import functools

import numpy as np
import jax
import jax.numpy as jnp
from jax import lax
from jax.experimental import pallas as pl
from jax.experimental.pallas import tpu as pltpu
from jax.experimental.pallas import tpu_sc as plsc

_B = 1024
_S = 200
_D = 64
_N = _B * _S
_NC = 2
_NS = 16
_NW = _NC * _NS
_SEQ_W = _B // _NW
_C1 = 128
_C2 = _S - _C1
_NBUF = 4
_OUTER = _SEQ_W // _NBUF
_LANES = 16


def _pe_table() -> np.ndarray:
    pos = np.arange(_S, dtype=np.float32)[:, None]
    div = 10000.0 ** (np.arange(0, _D, 2, dtype=np.float32) / _D)
    pe = np.zeros((_S, _D), dtype=np.float32)
    pe[:, 0::2] = np.sin(pos / div)
    pe[:, 1::2] = np.cos(pos / div)
    return pe


_PE = _pe_table()

_mesh = plsc.VectorSubcoreMesh(core_axis_name="c", subcore_axis_name="s")


@functools.partial(
    pl.kernel,
    mesh=_mesh,
    out_type=jax.ShapeDtypeStruct((_B, _S, _D), jnp.float32),
    compiler_params=pltpu.CompilerParams(use_tc_tiling_on_sc=False),
    scratch_types=(
        [pltpu.VMEM((_SEQ_W * _S,), jnp.int32),
         pltpu.VMEM((_S, _D), jnp.float32)]
        + [pltpu.VMEM((_S, _D), jnp.float32) for _ in range(_NBUF)]
        + [pltpu.SemaphoreType.DMA for _ in range(2 * _NBUF)]
    ),
)
def _emb_pe(idx_hbm, table_hbm, pe_hbm, out_hbm, idx_v, pe_v, *rest):
    bufs = rest[:_NBUF]
    gsems = rest[_NBUF:2 * _NBUF]
    wsems = rest[2 * _NBUF:]

    wid = lax.axis_index("s") * _NC + lax.axis_index("c")
    sbase = wid * _SEQ_W
    pltpu.sync_copy(idx_hbm.at[pl.ds(sbase * _S, _SEQ_W * _S)], idx_v)
    pltpu.sync_copy(pe_hbm, pe_v)

    def gather(s, buf, gsem):
        pltpu.async_copy(
            table_hbm.at[idx_v.at[pl.ds(s * _S, _C1)]],
            buf.at[pl.ds(0, _C1)], gsem,
        )
        pltpu.async_copy(
            table_hbm.at[idx_v.at[pl.ds(s * _S + _C1, _C2)]],
            buf.at[pl.ds(_C1, _C2)], gsem,
        )

    def wait_gather(s, buf, gsem):
        pltpu.make_async_copy(
            table_hbm.at[idx_v.at[pl.ds(s * _S, _C1)]],
            buf.at[pl.ds(0, _C1)], gsem,
        ).wait()
        pltpu.make_async_copy(
            table_hbm.at[idx_v.at[pl.ds(s * _S + _C1, _C2)]],
            buf.at[pl.ds(_C1, _C2)], gsem,
        ).wait()

    def outer(cc, carry):
        s0 = cc * _NBUF
        for b in range(_NBUF):
            s = s0 + b

            @pl.when(cc > 0)
            def _():
                pltpu.make_async_copy(
                    bufs[b], out_hbm.at[sbase + s], wsems[b]
                ).wait()

            gather(s, bufs[b], gsems[b])

        for b in range(_NBUF):
            s = s0 + b
            wait_gather(s, bufs[b], gsems[b])
            buf = bufs[b]

            def row_body(r, carry2, buf=buf):
                for k in range(_D // _LANES):
                    sl = pl.ds(k * _LANES, _LANES)
                    buf[r, sl] = buf[r, sl] + pe_v[r, sl]
                return carry2

            lax.fori_loop(0, _S, row_body, 0)
            pltpu.async_copy(buf, out_hbm.at[sbase + s], wsems[b])
        return carry

    lax.fori_loop(0, _OUTER, outer, 0)

    for b in range(_NBUF):
        s = (_OUTER - 1) * _NBUF + b
        pltpu.make_async_copy(
            bufs[b], out_hbm.at[sbase + s], wsems[b]
        ).wait()


def kernel(x, table):
    idx = x.reshape(-1).astype(jnp.int32)
    return _emb_pe(idx, table, _PE)

# --- scband reference (transcript-rebuilt; emitter-appended) ---
"""Pipeline reference for scband-positional-embedding-21483426415190 (READ-ONLY COPY).

The authoritative reference and input builder live on the scoring server;
editing this copy changes nothing except your own understanding.
"""

import jax, jax.numpy as jnp
import numpy as np

NUM_EMBEDDINGS = 1000000
EMBEDDING_DIM = 64
SEQ_LENGTH = 200
BATCH = 1024


def _pos_encoding(seq_length, d):
    pos = np.arange(seq_length, dtype=np.float32)[:, None]
    div = 10000.0 ** (np.arange(0, d, 2, dtype=np.float32) / d)
    pe = np.zeros((seq_length, d), dtype=np.float32)
    pe[:, 0::2] = np.sin(pos / div)
    pe[:, 1::2] = np.cos(pos / div)
    return jnp.asarray(pe)


def setup_inputs(seed: int = 0) -> dict:
    key = jax.random.key(seed)
    k_idx, k_tab = jax.random.split(key)
    x = jax.random.randint(k_idx, (BATCH, SEQ_LENGTH), 0, NUM_EMBEDDINGS, dtype=jnp.int64)
    table = jax.random.normal(k_tab, (NUM_EMBEDDINGS, EMBEDDING_DIM), dtype=jnp.float32)
    return {"x": x, "table": table}


def reference(x, table):
    # nn.Embedding lookup -> gather rows of table
    emb = jnp.take(table, x, axis=0)  # [B, L, D]
    pe = _pos_encoding(SEQ_LENGTH, EMBEDDING_DIM)  # [L, D], broadcast over batch
    out = emb + pe
    # dropout with p=0.0 (and eval semantics) is identity
    return out

if __name__ == "__main__":
    import jax
    _d = setup_inputs()
    print(jax.jit(kernel)(*tuple(_d.values())))

</pallas_src>

<mosaic_0001>
#map = affine_map<(d0, d1) -> (0)>
#map1 = affine_map<(d0, d1) -> (0, 0)>
#map2 = affine_map<(d0, d1) -> (0, 0, 0)>
module attributes {stable_mosaic.version = 14 : i64} {
  func.func @_emb_pe(%arg0: i32, %arg1: i32, %arg2: memref<204800xi32, #tpu.memory_space<hbm>>, %arg3: memref<1000000x64xf32, #tpu.memory_space<hbm>>, %arg4: memref<200x64xf32, #tpu.memory_space<hbm>>, %arg5: memref<1024x200x64xf32, #tpu.memory_space<hbm>>, %arg6: memref<6400xi32, #tpu.memory_space<vmem>>, %arg7: memref<200x64xf32, #tpu.memory_space<vmem>>, %arg8: memref<200x64xf32, #tpu.memory_space<vmem>>, %arg9: memref<200x64xf32, #tpu.memory_space<vmem>>, %arg10: memref<200x64xf32, #tpu.memory_space<vmem>>, %arg11: memref<200x64xf32, #tpu.memory_space<vmem>>, %arg12: memref<!tpu.dma_semaphore, #tpu.memory_space<semaphore_mem>>, %arg13: memref<!tpu.dma_semaphore, #tpu.memory_space<semaphore_mem>>, %arg14: memref<!tpu.dma_semaphore, #tpu.memory_space<semaphore_mem>>, %arg15: memref<!tpu.dma_semaphore, #tpu.memory_space<semaphore_mem>>, %arg16: memref<!tpu.dma_semaphore, #tpu.memory_space<semaphore_mem>>, %arg17: memref<!tpu.dma_semaphore, #tpu.memory_space<semaphore_mem>>, %arg18: memref<!tpu.dma_semaphore, #tpu.memory_space<semaphore_mem>>, %arg19: memref<!tpu.dma_semaphore, #tpu.memory_space<semaphore_mem>>) attributes {dimension_semantics = [#tpu.dimension_semantics<core_parallel>, #tpu.dimension_semantics<subcore_parallel>], iteration_bounds = array<i64: 2, 16>, scalar_prefetch = 0 : i64, scratch_operands = 14 : i64, tpu.core_type = #tpu.core_type<sc_vector_subcore>, window_params = [{transform_indices = #map}, {transform_indices = #map1}, {transform_indices = #map1}, {transform_indices = #map2}]} {
    %mul3A = arith.constant 2 : i32
    %mul3A_0 = arith.muli %arg1, %mul3A : i32
    %add3A = arith.addi %mul3A_0, %arg0 : i32
    %mul3A_1 = arith.constant 32 : i32
    %mul3A_2 = arith.muli %add3A, %mul3A_1 : i32
    %mul3A_3 = arith.constant 200 : i32
    %mul3A_4 = arith.muli %mul3A_2, %mul3A_3 : i32
    "tpu.region"() ({
      %run_scoped3A = tpu.sem_alloc : memref<!tpu.dma_semaphore, #tpu.memory_space<semaphore_mem>>
      %dma_start3A = tpu.memref_slice %arg2[%mul3A_4] : memref<204800xi32, #tpu.memory_space<hbm>> -> memref<6400xi32, #tpu.memory_space<hbm>>
      %dma_start3A_49 = tpu.memref_slice %arg2[%mul3A_4] : memref<204800xi32, #tpu.memory_space<hbm>> -> memref<6400xi32, #tpu.memory_space<hbm>>
      tpu.enqueue_dma source(%dma_start3A_49 : memref<6400xi32, #tpu.memory_space<hbm>>) target(%arg6 : memref<6400xi32, #tpu.memory_space<vmem>>) target_semaphore(%run_scoped3A : memref<!tpu.dma_semaphore, #tpu.memory_space<semaphore_mem>>)
      %dma_wait3A_50 = tpu.memref_slice %arg2[%mul3A_4] : memref<204800xi32, #tpu.memory_space<hbm>> -> memref<6400xi32, #tpu.memory_space<hbm>>
      %dma_wait3A_51 = tpu.memref_slice %arg2[%mul3A_4] : memref<204800xi32, #tpu.memory_space<hbm>> -> memref<6400xi32, #tpu.memory_space<hbm>>
      tpu.wait_dma2 semaphore(%run_scoped3A : memref<!tpu.dma_semaphore, #tpu.memory_space<semaphore_mem>>) src(%dma_wait3A_51 : memref<6400xi32, #tpu.memory_space<hbm>>) dst(%arg6 : memref<6400xi32, #tpu.memory_space<vmem>>)
      tpu.yield
    }) : () -> ()
    "tpu.region"() ({
      %run_scoped3A = tpu.sem_alloc : memref<!tpu.dma_semaphore, #tpu.memory_space<semaphore_mem>>
      tpu.enqueue_dma source(%arg4 : memref<200x64xf32, #tpu.memory_space<hbm>>) target(%arg7 : memref<200x64xf32, #tpu.memory_space<vmem>>) target_semaphore(%run_scoped3A : memref<!tpu.dma_semaphore, #tpu.memory_space<semaphore_mem>>)
      tpu.wait_dma2 semaphore(%run_scoped3A : memref<!tpu.dma_semaphore, #tpu.memory_space<semaphore_mem>>) src(%arg4 : memref<200x64xf32, #tpu.memory_space<hbm>>) dst(%arg7 : memref<200x64xf32, #tpu.memory_space<vmem>>)
      tpu.yield
    }) : () -> ()
    %scan3A = arith.constant 0 : i32
    %scan3A_5 = arith.constant 0 : i32
    %scan3A_6 = arith.constant 8 : i32
    %scan3A_7 = arith.addi %scan3A_5, %scan3A_6 : i32
    %scan3A_8 = arith.constant 1 : i32
    scf.for %scan3A_49 = %scan3A_5 to %scan3A_7 step %scan3A_8  : i32 {
      %mul3A_50 = arith.constant 4 : i32
      %mul3A_51 = arith.muli %scan3A_49, %mul3A_50 : i32
      %add3A_52 = arith.constant 0 : i32
      %add3A_53 = arith.addi %mul3A_51, %add3A_52 : i32
      %gt3A = arith.constant 0 : i32
      %gt3A_54 = arith.cmpi sgt, %scan3A_49, %gt3A : i32
      %convert_element_type3A = arith.extui %gt3A_54 : i1 to i32
      %cond3A = arith.constant 0 : i32
      %cond3A_55 = arith.cmpi ne, %convert_element_type3A, %cond3A : i32
      scf.if %cond3A_55 {
        %add3A_304 = arith.addi %mul3A_2, %add3A_53 : i32
        %dma_wait3A_305 = arith.constant 0 : i32
        %dma_wait3A_306 = arith.constant 0 : i32
        %dma_wait3A_307 = tpu.memref_slice %arg5[%add3A_304, %dma_wait3A_305, %dma_wait3A_306] : memref<1024x200x64xf32, #tpu.memory_space<hbm>> -> memref<1x200x64xf32, #tpu.memory_space<hbm>>
        %dma_wait3A_308 = tpu.memref_squeeze %dma_wait3A_307 : memref<1x200x64xf32, #tpu.memory_space<hbm>> -> memref<200x64xf32, #tpu.memory_space<hbm>>
        %dma_wait3A_309 = arith.constant 0 : i32
        %dma_wait3A_310 = arith.constant 0 : i32
        %dma_wait3A_311 = tpu.memref_slice %arg5[%add3A_304, %dma_wait3A_309, %dma_wait3A_310] : memref<1024x200x64xf32, #tpu.memory_space<hbm>> -> memref<1x200x64xf32, #tpu.memory_space<hbm>>
        %dma_wait3A_312 = tpu.memref_squeeze %dma_wait3A_311 : memref<1x200x64xf32, #tpu.memory_space<hbm>> -> memref<200x64xf32, #tpu.memory_space<hbm>>
        tpu.wait_dma2 semaphore(%arg16 : memref<!tpu.dma_semaphore, #tpu.memory_space<semaphore_mem>>) src(%arg8 : memref<200x64xf32, #tpu.memory_space<vmem>>) dst(%dma_wait3A_312 : memref<200x64xf32, #tpu.memory_space<hbm>>)
      } else {
      }
      %mul3A_56 = arith.constant 200 : i32
      %mul3A_57 = arith.muli %add3A_53, %mul3A_56 : i32
      %dma_start3A = arith.constant 0 : i32
      %dma_start3A_58 = arith.constant 0 : i32
      %dma_start3A_59 = tpu.memref_slice %arg8[%dma_start3A, %dma_start3A_58] : memref<200x64xf32, #tpu.memory_space<vmem>> -> memref<128x64xf32, #tpu.memory_space<vmem>>
      %dma_start3A_60 = tpu.memref_slice %arg6[%mul3A_57] : memref<6400xi32, #tpu.memory_space<vmem>> -> memref<128xi32, #tpu.memory_space<vmem>>
      %dma_start3A_61 = arith.constant 0 : i32
      %dma_start3A_62 = arith.constant 0 : i32
      %dma_start3A_63 = tpu.memref_slice %arg3[%dma_start3A_61, %dma_start3A_62] : memref<1000000x64xf32, #tpu.memory_space<hbm>> -> memref<1000000x64xf32, #tpu.memory_space<hbm>>
      tpu.enqueue_indirect_dma source(%dma_start3A_63 : memref<1000000x64xf32, #tpu.memory_space<hbm>>) target(%dma_start3A_59 : memref<128x64xf32, #tpu.memory_space<vmem>>) offsets(%dma_start3A_60 : memref<128xi32, #tpu.memory_space<vmem>>) semaphore(%arg12 : memref<!tpu.dma_semaphore, #tpu.memory_space<semaphore_mem>>)
      %mul3A_64 = arith.constant 200 : i32
      %mul3A_65 = arith.muli %add3A_53, %mul3A_64 : i32
      %add3A_66 = arith.constant 128 : i32
      %add3A_67 = arith.addi %mul3A_65, %add3A_66 : i32
      %dma_start3A_68 = arith.constant 128 : i32
      %dma_start3A_69 = arith.constant 0 : i32
      %dma_start3A_70 = tpu.memref_slice %arg8[%dma_start3A_68, %dma_start3A_69] : memref<200x64xf32, #tpu.memory_space<vmem>> -> memref<72x64xf32, #tpu.memory_space<vmem>>
      %dma_start3A_71 = tpu.memref_slice %arg6[%add3A_67] : memref<6400xi32, #tpu.memory_space<vmem>> -> memref<72xi32, #tpu.memory_space<vmem>>
      %dma_start3A_72 = arith.constant 0 : i32
      %dma_start3A_73 = arith.constant 0 : i32
      %dma_start3A_74 = tpu.memref_slice %arg3[%dma_start3A_72, %dma_start3A_73] : memref<1000000x64xf32, #tpu.memory_space<hbm>> -> memref<1000000x64xf32, #tpu.memory_space<hbm>>
      tpu.enqueue_indirect_dma source(%dma_start3A_74 : memref<1000000x64xf32, #tpu.memory_space<hbm>>) target(%dma_start3A_70 : memref<72x64xf32, #tpu.memory_space<vmem>>) offsets(%dma_start3A_71 : memref<72xi32, #tpu.memory_space<vmem>>) semaphore(%arg12 : memref<!tpu.dma_semaphore, #tpu.memory_space<semaphore_mem>>)
      %add3A_75 = arith.constant 1 : i32
      %add3A_76 = arith.addi %mul3A_51, %add3A_75 : i32
      %gt3A_77 = arith.constant 0 : i32
      %gt3A_78 = arith.cmpi sgt, %scan3A_49, %gt3A_77 : i32
      %convert_element_type3A_79 = arith.extui %gt3A_78 : i1 to i32
      %cond3A_80 = arith.constant 0 : i32
      %cond3A_81 = arith.cmpi ne, %convert_element_type3A_79, %cond3A_80 : i32
      scf.if %cond3A_81 {
        %add3A_304 = arith.addi %mul3A_2, %add3A_76 : i32
        %dma_wait3A_305 = arith.constant 0 : i32
        %dma_wait3A_306 = arith.constant 0 : i32
        %dma_wait3A_307 = tpu.memref_slice %arg5[%add3A_304, %dma_wait3A_305, %dma_wait3A_306] : memref<1024x200x64xf32, #tpu.memory_space<hbm>> -> memref<1x200x64xf32, #tpu.memory_space<hbm>>
        %dma_wait3A_308 = tpu.memref_squeeze %dma_wait3A_307 : memref<1x200x64xf32, #tpu.memory_space<hbm>> -> memref<200x64xf32, #tpu.memory_space<hbm>>
        %dma_wait3A_309 = arith.constant 0 : i32
        %dma_wait3A_310 = arith.constant 0 : i32
        %dma_wait3A_311 = tpu.memref_slice %arg5[%add3A_304, %dma_wait3A_309, %dma_wait3A_310] : memref<1024x200x64xf32, #tpu.memory_space<hbm>> -> memref<1x200x64xf32, #tpu.memory_space<hbm>>
        %dma_wait3A_312 = tpu.memref_squeeze %dma_wait3A_311 : memref<1x200x64xf32, #tpu.memory_space<hbm>> -> memref<200x64xf32, #tpu.memory_space<hbm>>
        tpu.wait_dma2 semaphore(%arg17 : memref<!tpu.dma_semaphore, #tpu.memory_space<semaphore_mem>>) src(%arg9 : memref<200x64xf32, #tpu.memory_space<vmem>>) dst(%dma_wait3A_312 : memref<200x64xf32, #tpu.memory_space<hbm>>)
      } else {
      }
      %mul3A_82 = arith.constant 200 : i32
      %mul3A_83 = arith.muli %add3A_76, %mul3A_82 : i32
      %dma_start3A_84 = arith.constant 0 : i32
      %dma_start3A_85 = arith.constant 0 : i32
      %dma_start3A_86 = tpu.memref_slice %arg9[%dma_start3A_84, %dma_start3A_85] : memref<200x64xf32, #tpu.memory_space<vmem>> -> memref<128x64xf32, #tpu.memory_space<vmem>>
      %dma_start3A_87 = tpu.memref_slice %arg6[%mul3A_83] : memref<6400xi32, #tpu.memory_space<vmem>> -> memref<128xi32, #tpu.memory_space<vmem>>
      %dma_start3A_88 = arith.constant 0 : i32
      %dma_start3A_89 = arith.constant 0 : i32
      %dma_start3A_90 = tpu.memref_slice %arg3[%dma_start3A_88, %dma_start3A_89] : memref<1000000x64xf32, #tpu.memory_space<hbm>> -> memref<1000000x64xf32, #tpu.memory_space<hbm>>
      tpu.enqueue_indirect_dma source(%dma_start3A_90 : memref<1000000x64xf32, #tpu.memory_space<hbm>>) target(%dma_start3A_86 : memref<128x64xf32, #tpu.memory_space<vmem>>) offsets(%dma_start3A_87 : memref<128xi32, #tpu.memory_space<vmem>>) semaphore(%arg13 : memref<!tpu.dma_semaphore, #tpu.memory_space<semaphore_mem>>)
      %mul3A_91 = arith.constant 200 : i32
      %mul3A_92 = arith.muli %add3A_76, %mul3A_91 : i32
      %add3A_93 = arith.constant 128 : i32
      %add3A_94 = arith.addi %mul3A_92, %add3A_93 : i32
      %dma_start3A_95 = arith.constant 128 : i32
      %dma_start3A_96 = arith.constant 0 : i32
      %dma_start3A_97 = tpu.memref_slice %arg9[%dma_start3A_95, %dma_start3A_96] : memref<200x64xf32, #tpu.memory_space<vmem>> -> memref<72x64xf32, #tpu.memory_space<vmem>>
      %dma_start3A_98 = tpu.memref_slice %arg6[%add3A_94] : memref<6400xi32, #tpu.memory_space<vmem>> -> memref<72xi32, #tpu.memory_space<vmem>>
      %dma_start3A_99 = arith.constant 0 : i32
      %dma_start3A_100 = arith.constant 0 : i32
      %dma_start3A_101 = tpu.memref_slice %arg3[%dma_start3A_99, %dma_start3A_100] : memref<1000000x64xf32, #tpu.memory_space<hbm>> -> memref<1000000x64xf32, #tpu.memory_space<hbm>>
      tpu.enqueue_indirect_dma source(%dma_start3A_101 : memref<1000000x64xf32, #tpu.memory_space<hbm>>) target(%dma_start3A_97 : memref<72x64xf32, #tpu.memory_space<vmem>>) offsets(%dma_start3A_98 : memref<72xi32, #tpu.memory_space<vmem>>) semaphore(%arg13 : memref<!tpu.dma_semaphore, #tpu.memory_space<semaphore_mem>>)
      %add3A_102 = arith.constant 2 : i32
      %add3A_103 = arith.addi %mul3A_51, %add3A_102 : i32
      %gt3A_104 = arith.constant 0 : i32
      %gt3A_105 = arith.cmpi sgt, %scan3A_49, %gt3A_104 : i32
      %convert_element_type3A_106 = arith.extui %gt3A_105 : i1 to i32
      %cond3A_107 = arith.constant 0 : i32
      %cond3A_108 = arith.cmpi ne, %convert_element_type3A_106, %cond3A_107 : i32
      scf.if %cond3A_108 {
        %add3A_304 = arith.addi %mul3A_2, %add3A_103 : i32
        %dma_wait3A_305 = arith.constant 0 : i32
        %dma_wait3A_306 = arith.constant 0 : i32
        %dma_wait3A_307 = tpu.memref_slice %arg5[%add3A_304, %dma_wait3A_305, %dma_wait3A_306] : memref<1024x200x64xf32, #tpu.memory_space<hbm>> -> memref<1x200x64xf32, #tpu.memory_space<hbm>>
        %dma_wait3A_308 = tpu.memref_squeeze %dma_wait3A_307 : memref<1x200x64xf32, #tpu.memory_space<hbm>> -> memref<200x64xf32, #tpu.memory_space<hbm>>
        %dma_wait3A_309 = arith.constant 0 : i32
        %dma_wait3A_310 = arith.constant 0 : i32
        %dma_wait3A_311 = tpu.memref_slice %arg5[%add3A_304, %dma_wait3A_309, %dma_wait3A_310] : memref<1024x200x64xf32, #tpu.memory_space<hbm>> -> memref<1x200x64xf32, #tpu.memory_space<hbm>>
        %dma_wait3A_312 = tpu.memref_squeeze %dma_wait3A_311 : memref<1x200x64xf32, #tpu.memory_space<hbm>> -> memref<200x64xf32, #tpu.memory_space<hbm>>
        tpu.wait_dma2 semaphore(%arg18 : memref<!tpu.dma_semaphore, #tpu.memory_space<semaphore_mem>>) src(%arg10 : memref<200x64xf32, #tpu.memory_space<vmem>>) dst(%dma_wait3A_312 : memref<200x64xf32, #tpu.memory_space<hbm>>)
      } else {
      }
      %mul3A_109 = arith.constant 200 : i32
      %mul3A_110 = arith.muli %add3A_103, %mul3A_109 : i32
      %dma_start3A_111 = arith.constant 0 : i32
      %dma_start3A_112 = arith.constant 0 : i32
      %dma_start3A_113 = tpu.memref_slice %arg10[%dma_start3A_111, %dma_start3A_112] : memref<200x64xf32, #tpu.memory_space<vmem>> -> memref<128x64xf32, #tpu.memory_space<vmem>>
      %dma_start3A_114 = tpu.memref_slice %arg6[%mul3A_110] : memref<6400xi32, #tpu.memory_space<vmem>> -> memref<128xi32, #tpu.memory_space<vmem>>
      %dma_start3A_115 = arith.constant 0 : i32
      %dma_start3A_116 = arith.constant 0 : i32
      %dma_start3A_117 = tpu.memref_slice %arg3[%dma_start3A_115, %dma_start3A_116] : memref<1000000x64xf32, #tpu.memory_space<hbm>> -> memref<1000000x64xf32, #tpu.memory_space<hbm>>
      tpu.enqueue_indirect_dma source(%dma_start3A_117 : memref<1000000x64xf32, #tpu.memory_space<hbm>>) target(%dma_start3A_113 : memref<128x64xf32, #tpu.memory_space<vmem>>) offsets(%dma_start3A_114 : memref<128xi32, #tpu.memory_space<vmem>>) semaphore(%arg14 : memref<!tpu.dma_semaphore, #tpu.memory_space<semaphore_mem>>)
      %mul3A_118 = arith.constant 200 : i32
      %mul3A_119 = arith.muli %add3A_103, %mul3A_118 : i32
      %add3A_120 = arith.constant 128 : i32
      %add3A_121 = arith.addi %mul3A_119, %add3A_120 : i32
      %dma_start3A_122 = arith.constant 128 : i32
      %dma_start3A_123 = arith.constant 0 : i32
      %dma_start3A_124 = tpu.memref_slice %arg10[%dma_start3A_122, %dma_start3A_123] : memref<200x64xf32, #tpu.memory_space<vmem>> -> memref<72x64xf32, #tpu.memory_space<vmem>>
      %dma_start3A_125 = tpu.memref_slice %arg6[%add3A_121] : memref<6400xi32, #tpu.memory_space<vmem>> -> memref<72xi32, #tpu.memory_space<vmem>>
      %dma_start3A_126 = arith.constant 0 : i32
      %dma_start3A_127 = arith.constant 0 : i32
      %dma_start3A_128 = tpu.memref_slice %arg3[%dma_start3A_126, %dma_start3A_127] : memref<1000000x64xf32, #tpu.memory_space<hbm>> -> memref<1000000x64xf32, #tpu.memory_space<hbm>>
      tpu.enqueue_indirect_dma source(%dma_start3A_128 : memref<1000000x64xf32, #tpu.memory_space<hbm>>) target(%dma_start3A_124 : memref<72x64xf32, #tpu.memory_space<vmem>>) offsets(%dma_start3A_125 : memref<72xi32, #tpu.memory_space<vmem>>) semaphore(%arg14 : memref<!tpu.dma_semaphore, #tpu.memory_space<semaphore_mem>>)
      %add3A_129 = arith.constant 3 : i32
      %add3A_130 = arith.addi %mul3A_51, %add3A_129 : i32
      %gt3A_131 = arith.constant 0 : i32
      %gt3A_132 = arith.cmpi sgt, %scan3A_49, %gt3A_131 : i32
      %convert_element_type3A_133 = arith.extui %gt3A_132 : i1 to i32
      %cond3A_134 = arith.constant 0 : i32
      %cond3A_135 = arith.cmpi ne, %convert_element_type3A_133, %cond3A_134 : i32
      scf.if %cond3A_135 {
        %add3A_304 = arith.addi %mul3A_2, %add3A_130 : i32
        %dma_wait3A_305 = arith.constant 0 : i32
        %dma_wait3A_306 = arith.constant 0 : i32
        %dma_wait3A_307 = tpu.memref_slice %arg5[%add3A_304, %dma_wait3A_305, %dma_wait3A_306] : memref<1024x200x64xf32, #tpu.memory_space<hbm>> -> memref<1x200x64xf32, #tpu.memory_space<hbm>>
        %dma_wait3A_308 = tpu.memref_squeeze %dma_wait3A_307 : memref<1x200x64xf32, #tpu.memory_space<hbm>> -> memref<200x64xf32, #tpu.memory_space<hbm>>
        %dma_wait3A_309 = arith.constant 0 : i32
        %dma_wait3A_310 = arith.constant 0 : i32
        %dma_wait3A_311 = tpu.memref_slice %arg5[%add3A_304, %dma_wait3A_309, %dma_wait3A_310] : memref<1024x200x64xf32, #tpu.memory_space<hbm>> -> memref<1x200x64xf32, #tpu.memory_space<hbm>>
        %dma_wait3A_312 = tpu.memref_squeeze %dma_wait3A_311 : memref<1x200x64xf32, #tpu.memory_space<hbm>> -> memref<200x64xf32, #tpu.memory_space<hbm>>
        tpu.wait_dma2 semaphore(%arg19 : memref<!tpu.dma_semaphore, #tpu.memory_space<semaphore_mem>>) src(%arg11 : memref<200x64xf32, #tpu.memory_space<vmem>>) dst(%dma_wait3A_312 : memref<200x64xf32, #tpu.memory_space<hbm>>)
      } else {
      }
      %mul3A_136 = arith.constant 200 : i32
      %mul3A_137 = arith.muli %add3A_130, %mul3A_136 : i32
      %dma_start3A_138 = arith.constant 0 : i32
      %dma_start3A_139 = arith.constant 0 : i32
      %dma_start3A_140 = tpu.memref_slice %arg11[%dma_start3A_138, %dma_start3A_139] : memref<200x64xf32, #tpu.memory_space<vmem>> -> memref<128x64xf32, #tpu.memory_space<vmem>>
      %dma_start3A_141 = tpu.memref_slice %arg6[%mul3A_137] : memref<6400xi32, #tpu.memory_space<vmem>> -> memref<128xi32, #tpu.memory_space<vmem>>
      %dma_start3A_142 = arith.constant 0 : i32
      %dma_start3A_143 = arith.constant 0 : i32
      %dma_start3A_144 = tpu.memref_slice %arg3[%dma_start3A_142, %dma_start3A_143] : memref<1000000x64xf32, #tpu.memory_space<hbm>> -> memref<1000000x64xf32, #tpu.memory_space<hbm>>
      tpu.enqueue_indirect_dma source(%dma_start3A_144 : memref<1000000x64xf32, #tpu.memory_space<hbm>>) target(%dma_start3A_140 : memref<128x64xf32, #tpu.memory_space<vmem>>) offsets(%dma_start3A_141 : memref<128xi32, #tpu.memory_space<vmem>>) semaphore(%arg15 : memref<!tpu.dma_semaphore, #tpu.memory_space<semaphore_mem>>)
      %mul3A_145 = arith.constant 200 : i32
      %mul3A_146 = arith.muli %add3A_130, %mul3A_145 : i32
      %add3A_147 = arith.constant 128 : i32
      %add3A_148 = arith.addi %mul3A_146, %add3A_147 : i32
      %dma_start3A_149 = arith.constant 128 : i32
      %dma_start3A_150 = arith.constant 0 : i32
      %dma_start3A_151 = tpu.memref_slice %arg11[%dma_start3A_149, %dma_start3A_150] : memref<200x64xf32, #tpu.memory_space<vmem>> -> memref<72x64xf32, #tpu.memory_space<vmem>>
      %dma_start3A_152 = tpu.memref_slice %arg6[%add3A_148] : memref<6400xi32, #tpu.memory_space<vmem>> -> memref<72xi32, #tpu.memory_space<vmem>>
      %dma_start3A_153 = arith.constant 0 : i32
      %dma_start3A_154 = arith.constant 0 : i32
      %dma_start3A_155 = tpu.memref_slice %arg3[%dma_start3A_153, %dma_start3A_154] : memref<1000000x64xf32, #tpu.memory_space<hbm>> -> memref<1000000x64xf32, #tpu.memory_space<hbm>>
      tpu.enqueue_indirect_dma source(%dma_start3A_155 : memref<1000000x64xf32, #tpu.memory_space<hbm>>) target(%dma_start3A_151 : memref<72x64xf32, #tpu.memory_space<vmem>>) offsets(%dma_start3A_152 : memref<72xi32, #tpu.memory_space<vmem>>) semaphore(%arg15 : memref<!tpu.dma_semaphore, #tpu.memory_space<semaphore_mem>>)
      %add3A_156 = arith.constant 0 : i32
      %add3A_157 = arith.addi %mul3A_51, %add3A_156 : i32
      %mul3A_158 = arith.constant 200 : i32
      %mul3A_159 = arith.muli %add3A_157, %mul3A_158 : i32
      %dma_wait3A_160 = arith.constant 0 : i32
      %dma_wait3A_161 = arith.constant 0 : i32
      %dma_wait3A_162 = tpu.memref_slice %arg8[%dma_wait3A_160, %dma_wait3A_161] : memref<200x64xf32, #tpu.memory_space<vmem>> -> memref<128x64xf32, #tpu.memory_space<vmem>>
      %dma_wait3A_163 = tpu.memref_slice %arg6[%mul3A_159] : memref<6400xi32, #tpu.memory_space<vmem>> -> memref<128xi32, #tpu.memory_space<vmem>>
      %dma_wait3A_164 = arith.constant 0 : i32
      %dma_wait3A_165 = arith.constant 0 : i32
      %dma_wait3A_166 = tpu.memref_slice %arg3[%dma_wait3A_164, %dma_wait3A_165] : memref<1000000x64xf32, #tpu.memory_space<hbm>> -> memref<1000000x64xf32, #tpu.memory_space<hbm>>
      tpu.wait_indirect_dma semaphore(%arg12 : memref<!tpu.dma_semaphore, #tpu.memory_space<semaphore_mem>>) src(%dma_wait3A_166 : memref<1000000x64xf32, #tpu.memory_space<hbm>>) dst(%dma_wait3A_162 : memref<128x64xf32, #tpu.memory_space<vmem>>)
      %mul3A_167 = arith.constant 200 : i32
      %mul3A_168 = arith.muli %add3A_157, %mul3A_167 : i32
      %add3A_169 = arith.constant 128 : i32
      %add3A_170 = arith.addi %mul3A_168, %add3A_169 : i32
      %dma_wait3A_171 = arith.constant 128 : i32
      %dma_wait3A_172 = arith.constant 0 : i32
      %dma_wait3A_173 = tpu.memref_slice %arg8[%dma_wait3A_171, %dma_wait3A_172] : memref<200x64xf32, #tpu.memory_space<vmem>> -> memref<72x64xf32, #tpu.memory_space<vmem>>
      %dma_wait3A_174 = tpu.memref_slice %arg6[%add3A_170] : memref<6400xi32, #tpu.memory_space<vmem>> -> memref<72xi32, #tpu.memory_space<vmem>>
      %dma_wait3A_175 = arith.constant 0 : i32
      %dma_wait3A_176 = arith.constant 0 : i32
      %dma_wait3A_177 = tpu.memref_slice %arg3[%dma_wait3A_175, %dma_wait3A_176] : memref<1000000x64xf32, #tpu.memory_space<hbm>> -> memref<1000000x64xf32, #tpu.memory_space<hbm>>
      tpu.wait_indirect_dma semaphore(%arg12 : memref<!tpu.dma_semaphore, #tpu.memory_space<semaphore_mem>>) src(%dma_wait3A_177 : memref<1000000x64xf32, #tpu.memory_space<hbm>>) dst(%dma_wait3A_173 : memref<72x64xf32, #tpu.memory_space<vmem>>)
      %scan3A_178 = arith.constant 0 : i32
      %scan3A_179 = arith.constant 0 : i32
      %scan3A_180 = arith.constant 200 : i32
      %scan3A_181 = arith.addi %scan3A_179, %scan3A_180 : i32
      %scan3A_182 = arith.constant 1 : i32
      scf.for %scan3A_304 = %scan3A_179 to %scan3A_181 step %scan3A_182  : i32 {
        %get3A = arith.index_cast %scan3A_304 : i32 to index
        %get3A_305 = arith.constant 0 : index
        %get3A_306 = tpu.vector_load %arg8[%get3A, %get3A_305] {strides = array<i32>} : memref<200x64xf32, #tpu.memory_space<vmem>>, vector<1x16xf32>,
        %get3A_307 = vector.shape_cast %get3A_306 : vector<1x16xf32> to vector<16xf32>
        %get3A_308 = arith.index_cast %scan3A_304 : i32 to index
        %get3A_309 = arith.constant 0 : index
        %get3A_310 = tpu.vector_load %arg7[%get3A_308, %get3A_309] {strides = array<i32>} : memref<200x64xf32, #tpu.memory_space<vmem>>, vector<1x16xf32>,
        %get3A_311 = vector.shape_cast %get3A_310 : vector<1x16xf32> to vector<16xf32>
        %add3A_312 = arith.addf %get3A_307, %get3A_311 : vector<16xf32>
        %swap3A = arith.index_cast %scan3A_304 : i32 to index
        %swap3A_313 = arith.constant 0 : index
        %swap3A_314 = tpu.vector_load %arg8[%swap3A, %swap3A_313] {strides = array<i32>} : memref<200x64xf32, #tpu.memory_space<vmem>>, vector<1x16xf32>,
        %swap3A_315 = vector.shape_cast %swap3A_314 : vector<1x16xf32> to vector<16xf32>
        %swap3A_316 = vector.shape_cast %add3A_312 : vector<16xf32> to vector<1x16xf32>
        tpu.vector_store %arg8[%swap3A, %swap3A_313], %swap3A_316 {strides = array<i32>} : memref<200x64xf32, #tpu.memory_space<vmem>>, vector<1x16xf32>,
        %get3A_317 = arith.index_cast %scan3A_304 : i32 to index
        %get3A_318 = arith.constant 16 : index
        %get3A_319 = tpu.vector_load %arg8[%get3A_317, %get3A_318] {strides = array<i32>} : memref<200x64xf32, #tpu.memory_space<vmem>>, vector<1x16xf32>,
        %get3A_320 = vector.shape_cast %get3A_319 : vector<1x16xf32> to vector<16xf32>
        %get3A_321 = arith.index_cast %scan3A_304 : i32 to index
        %get3A_322 = arith.constant 16 : index
        %get3A_323 = tpu.vector_load %arg7[%get3A_321, %get3A_322] {strides = array<i32>} : memref<200x64xf32, #tpu.memory_space<vmem>>, vector<1x16xf32>,
        %get3A_324 = vector.shape_cast %get3A_323 : vector<1x16xf32> to vector<16xf32>
        %add3A_325 = arith.addf %get3A_320, %get3A_324 : vector<16xf32>
        %swap3A_326 = arith.index_cast %scan3A_304 : i32 to index
        %swap3A_327 = arith.constant 16 : index
        %swap3A_328 = tpu.vector_load %arg8[%swap3A_326, %swap3A_327] {strides = array<i32>} : memref<200x64xf32, #tpu.memory_space<vmem>>, vector<1x16xf32>,
        %swap3A_329 = vector.shape_cast %swap3A_328 : vector<1x16xf32> to vector<16xf32>
        %swap3A_330 = vector.shape_cast %add3A_325 : vector<16xf32> to vector<1x16xf32>
        tpu.vector_store %arg8[%swap3A_326, %swap3A_327], %swap3A_330 {strides = array<i32>} : memref<200x64xf32, #tpu.memory_space<vmem>>, vector<1x16xf32>,
        %get3A_331 = arith.index_cast %scan3A_304 : i32 to index
        %get3A_332 = arith.constant 32 : index
        %get3A_333 = tpu.vector_load %arg8[%get3A_331, %get3A_332] {strides = array<i32>} : memref<200x64xf32, #tpu.memory_space<vmem>>, vector<1x16xf32>,
        %get3A_334 = vector.shape_cast %get3A_333 : vector<1x16xf32> to vector<16xf32>
        %get3A_335 = arith.index_cast %scan3A_304 : i32 to index
        %get3A_336 = arith.constant 32 : index
        %get3A_337 = tpu.vector_load %arg7[%get3A_335, %get3A_336] {strides = array<i32>} : memref<200x64xf32, #tpu.memory_space<vmem>>, vector<1x16xf32>,
        %get3A_338 = vector.shape_cast %get3A_337 : vector<1x16xf32> to vector<16xf32>
        %add3A_339 = arith.addf %get3A_334, %get3A_338 : vector<16xf32>
        %swap3A_340 = arith.index_cast %scan3A_304 : i32 to index
        %swap3A_341 = arith.constant 32 : index
        %swap3A_342 = tpu.vector_load %arg8[%swap3A_340, %swap3A_341] {strides = array<i32>} : memref<200x64xf32, #tpu.memory_space<vmem>>, vector<1x16xf32>,
        %swap3A_343 = vector.shape_cast %swap3A_342 : vector<1x16xf32> to vector<16xf32>
        %swap3A_344 = vector.shape_cast %add3A_339 : vector<16xf32> to vector<1x16xf32>
        tpu.vector_store %arg8[%swap3A_340, %swap3A_341], %swap3A_344 {strides = array<i32>} : memref<200x64xf32, #tpu.memory_space<vmem>>, vector<1x16xf32>,
        %get3A_345 = arith.index_cast %scan3A_304 : i32 to index
        %get3A_346 = arith.constant 48 : index
        %get3A_347 = tpu.vector_load %arg8[%get3A_345, %get3A_346] {strides = array<i32>} : memref<200x64xf32, #tpu.memory_space<vmem>>, vector<1x16xf32>,
        %get3A_348 = vector.shape_cast %get3A_347 : vector<1x16xf32> to vector<16xf32>
        %get3A_349 = arith.index_cast %scan3A_304 : i32 to index
        %get3A_350 = arith.constant 48 : index
        %get3A_351 = tpu.vector_load %arg7[%get3A_349, %get3A_350] {strides = array<i32>} : memref<200x64xf32, #tpu.memory_space<vmem>>, vector<1x16xf32>,
        %get3A_352 = vector.shape_cast %get3A_351 : vector<1x16xf32> to vector<16xf32>
        %add3A_353 = arith.addf %get3A_348, %get3A_352 : vector<16xf32>
        %swap3A_354 = arith.index_cast %scan3A_304 : i32 to index
        %swap3A_355 = arith.constant 48 : index
        %swap3A_356 = tpu.vector_load %arg8[%swap3A_354, %swap3A_355] {strides = array<i32>} : memref<200x64xf32, #tpu.memory_space<vmem>>, vector<1x16xf32>,
        %swap3A_357 = vector.shape_cast %swap3A_356 : vector<1x16xf32> to vector<16xf32>
        %swap3A_358 = vector.shape_cast %add3A_353 : vector<16xf32> to vector<1x16xf32>
        tpu.vector_store %arg8[%swap3A_354, %swap3A_355], %swap3A_358 {strides = array<i32>} : memref<200x64xf32, #tpu.memory_space<vmem>>, vector<1x16xf32>,
      }
      %scan3A_183 = arith.constant 200 : i32
      %add3A_184 = arith.addi %mul3A_2, %add3A_157 : i32
      %dma_start3A_185 = arith.constant 0 : i32
      %dma_start3A_186 = arith.constant 0 : i32
      %dma_start3A_187 = tpu.memref_slice %arg5[%add3A_184, %dma_start3A_185, %dma_start3A_186] : memref<1024x200x64xf32, #tpu.memory_space<hbm>> -> memref<1x200x64xf32, #tpu.memory_space<hbm>>
      %dma_start3A_188 = tpu.memref_squeeze %dma_start3A_187 : memref<1x200x64xf32, #tpu.memory_space<hbm>> -> memref<200x64xf32, #tpu.memory_space<hbm>>
      %dma_start3A_189 = arith.constant 0 : i32
      %dma_start3A_190 = arith.constant 0 : i32
      %dma_start3A_191 = tpu.memref_slice %arg5[%add3A_184, %dma_start3A_189, %dma_start3A_190] : memref<1024x200x64xf32, #tpu.memory_space<hbm>> -> memref<1x200x64xf32, #tpu.memory_space<hbm>>
      %dma_start3A_192 = tpu.memref_squeeze %dma_start3A_191 : memref<1x200x64xf32, #tpu.memory_space<hbm>> -> memref<200x64xf32, #tpu.memory_space<hbm>>
      tpu.enqueue_dma source(%arg8 : memref<200x64xf32, #tpu.memory_space<vmem>>) target(%dma_start3A_192 : memref<200x64xf32, #tpu.memory_space<hbm>>) target_semaphore(%arg16 : memref<!tpu.dma_semaphore, #tpu.memory_space<semaphore_mem>>)
      %add3A_193 = arith.constant 1 : i32
      %add3A_194 = arith.addi %mul3A_51, %add3A_193 : i32
      %mul3A_195 = arith.constant 200 : i32
      %mul3A_196 = arith.muli %add3A_194, %mul3A_195 : i32
      %dma_wait3A_197 = arith.constant 0 : i32
      %dma_wait3A_198 = arith.constant 0 : i32
      %dma_wait3A_199 = tpu.memref_slice %arg9[%dma_wait3A_197, %dma_wait3A_198] : memref<200x64xf32, #tpu.memory_space<vmem>> -> memref<128x64xf32, #tpu.memory_space<vmem>>
      %dma_wait3A_200 = tpu.memref_slice %arg6[%mul3A_196] : memref<6400xi32, #tpu.memory_space<vmem>> -> memref<128xi32, #tpu.memory_space<vmem>>
      %dma_wait3A_201 = arith.constant 0 : i32
      %dma_wait3A_202 = arith.constant 0 : i32
      %dma_wait3A_203 = tpu.memref_slice %arg3[%dma_wait3A_201, %dma_wait3A_202] : memref<1000000x64xf32, #tpu.memory_space<hbm>> -> memref<1000000x64xf32, #tpu.memory_space<hbm>>
      tpu.wait_indirect_dma semaphore(%arg13 : memref<!tpu.dma_semaphore, #tpu.memory_space<semaphore_mem>>) src(%dma_wait3A_203 : memref<1000000x64xf32, #tpu.memory_space<hbm>>) dst(%dma_wait3A_199 : memref<128x64xf32, #tpu.memory_space<vmem>>)
      %mul3A_204 = arith.constant 200 : i32
      %mul3A_205 = arith.muli %add3A_194, %mul3A_204 : i32
      %add3A_206 = arith.constant 128 : i32
      %add3A_207 = arith.addi %mul3A_205, %add3A_206 : i32
      %dma_wait3A_208 = arith.constant 128 : i32
      %dma_wait3A_209 = arith.constant 0 : i32
      %dma_wait3A_210 = tpu.memref_slice %arg9[%dma_wait3A_208, %dma_wait3A_209] : memref<200x64xf32, #tpu.memory_space<vmem>> -> memref<72x64xf32, #tpu.memory_space<vmem>>
      %dma_wait3A_211 = tpu.memref_slice %arg6[%add3A_207] : memref<6400xi32, #tpu.memory_space<vmem>> -> memref<72xi32, #tpu.memory_space<vmem>>
      %dma_wait3A_212 = arith.constant 0 : i32
      %dma_wait3A_213 = arith.constant 0 : i32
      %dma_wait3A_214 = tpu.memref_slice %arg3[%dma_wait3A_212, %dma_wait3A_213] : memref<1000000x64xf32, #tpu.memory_space<hbm>> -> memref<1000000x64xf32, #tpu.memory_space<hbm>>
      tpu.wait_indirect_dma semaphore(%arg13 : memref<!tpu.dma_semaphore, #tpu.memory_space<semaphore_mem>>) src(%dma_wait3A_214 : memref<1000000x64xf32, #tpu.memory_space<hbm>>) dst(%dma_wait3A_210 : memref<72x64xf32, #tpu.memory_space<vmem>>)
      %scan3A_215 = arith.constant 0 : i32
      %scan3A_216 = arith.constant 0 : i32
      %scan3A_217 = arith.constant 200 : i32
      %scan3A_218 = arith.addi %scan3A_216, %scan3A_217 : i32
      %scan3A_219 = arith.constant 1 : i32
      scf.for %scan3A_304 = %scan3A_216 to %scan3A_218 step %scan3A_219  : i32 {
        %get3A = arith.index_cast %scan3A_304 : i32 to index
        %get3A_305 = arith.constant 0 : index
        %get3A_306 = tpu.vector_load %arg9[%get3A, %get3A_305] {strides = array<i32>} : memref<200x64xf32, #tpu.memory_space<vmem>>, vector<1x16xf32>,
        %get3A_307 = vector.shape_cast %get3A_306 : vector<1x16xf32> to vector<16xf32>
        %get3A_308 = arith.index_cast %scan3A_304 : i32 to index
        %get3A_309 = arith.constant 0 : index
        %get3A_310 = tpu.vector_load %arg7[%get3A_308, %get3A_309] {strides = array<i32>} : memref<200x64xf32, #tpu.memory_space<vmem>>, vector<1x16xf32>,
        %get3A_311 = vector.shape_cast %get3A_310 : vector<1x16xf32> to vector<16xf32>
        %add3A_312 = arith.addf %get3A_307, %get3A_311 : vector<16xf32>
        %swap3A = arith.index_cast %scan3A_304 : i32 to index
        %swap3A_313 = arith.constant 0 : index
        %swap3A_314 = tpu.vector_load %arg9[%swap3A, %swap3A_313] {strides = array<i32>} : memref<200x64xf32, #tpu.memory_space<vmem>>, vector<1x16xf32>,
        %swap3A_315 = vector.shape_cast %swap3A_314 : vector<1x16xf32> to vector<16xf32>
        %swap3A_316 = vector.shape_cast %add3A_312 : vector<16xf32> to vector<1x16xf32>
        tpu.vector_store %arg9[%swap3A, %swap3A_313], %swap3A_316 {strides = array<i32>} : memref<200x64xf32, #tpu.memory_space<vmem>>, vector<1x16xf32>,
        %get3A_317 = arith.index_cast %scan3A_304 : i32 to index
        %get3A_318 = arith.constant 16 : index
        %get3A_319 = tpu.vector_load %arg9[%get3A_317, %get3A_318] {strides = array<i32>} : memref<200x64xf32, #tpu.memory_space<vmem>>, vector<1x16xf32>,
        %get3A_320 = vector.shape_cast %get3A_319 : vector<1x16xf32> to vector<16xf32>
        %get3A_321 = arith.index_cast %scan3A_304 : i32 to index
        %get3A_322 = arith.constant 16 : index
        %get3A_323 = tpu.vector_load %arg7[%get3A_321, %get3A_322] {strides = array<i32>} : memref<200x64xf32, #tpu.memory_space<vmem>>, vector<1x16xf32>,
        %get3A_324 = vector.shape_cast %get3A_323 : vector<1x16xf32> to vector<16xf32>
        %add3A_325 = arith.addf %get3A_320, %get3A_324 : vector<16xf32>
        %swap3A_326 = arith.index_cast %scan3A_304 : i32 to index
        %swap3A_327 = arith.constant 16 : index
        %swap3A_328 = tpu.vector_load %arg9[%swap3A_326, %swap3A_327] {strides = array<i32>} : memref<200x64xf32, #tpu.memory_space<vmem>>, vector<1x16xf32>,
        %swap3A_329 = vector.shape_cast %swap3A_328 : vector<1x16xf32> to vector<16xf32>
        %swap3A_330 = vector.shape_cast %add3A_325 : vector<16xf32> to vector<1x16xf32>
        tpu.vector_store %arg9[%swap3A_326, %swap3A_327], %swap3A_330 {strides = array<i32>} : memref<200x64xf32, #tpu.memory_space<vmem>>, vector<1x16xf32>,
        %get3A_331 = arith.index_cast %scan3A_304 : i32 to index
        %get3A_332 = arith.constant 32 : index
        %get3A_333 = tpu.vector_load %arg9[%get3A_331, %get3A_332] {strides = array<i32>} : memref<200x64xf32, #tpu.memory_space<vmem>>, vector<1x16xf32>,
        %get3A_334 = vector.shape_cast %get3A_333 : vector<1x16xf32> to vector<16xf32>
        %get3A_335 = arith.index_cast %scan3A_304 : i32 to index
        %get3A_336 = arith.constant 32 : index
        %get3A_337 = tpu.vector_load %arg7[%get3A_335, %get3A_336] {strides = array<i32>} : memref<200x64xf32, #tpu.memory_space<vmem>>, vector<1x16xf32>,
        %get3A_338 = vector.shape_cast %get3A_337 : vector<1x16xf32> to vector<16xf32>
        %add3A_339 = arith.addf %get3A_334, %get3A_338 : vector<16xf32>
        %swap3A_340 = arith.index_cast %scan3A_304 : i32 to index
        %swap3A_341 = arith.constant 32 : index
        %swap3A_342 = tpu.vector_load %arg9[%swap3A_340, %swap3A_341] {strides = array<i32>} : memref<200x64xf32, #tpu.memory_space<vmem>>, vector<1x16xf32>,
        %swap3A_343 = vector.shape_cast %swap3A_342 : vector<1x16xf32> to vector<16xf32>
        %swap3A_344 = vector.shape_cast %add3A_339 : vector<16xf32> to vector<1x16xf32>
        tpu.vector_store %arg9[%swap3A_340, %swap3A_341], %swap3A_344 {strides = array<i32>} : memref<200x64xf32, #tpu.memory_space<vmem>>, vector<1x16xf32>,
        %get3A_345 = arith.index_cast %scan3A_304 : i32 to index
        %get3A_346 = arith.constant 48 : index
        %get3A_347 = tpu.vector_load %arg9[%get3A_345, %get3A_346] {strides = array<i32>} : memref<200x64xf32, #tpu.memory_space<vmem>>, vector<1x16xf32>,
        %get3A_348 = vector.shape_cast %get3A_347 : vector<1x16xf32> to vector<16xf32>
        %get3A_349 = arith.index_cast %scan3A_304 : i32 to index
        %get3A_350 = arith.constant 48 : index
        %get3A_351 = tpu.vector_load %arg7[%get3A_349, %get3A_350] {strides = array<i32>} : memref<200x64xf32, #tpu.memory_space<vmem>>, vector<1x16xf32>,
        %get3A_352 = vector.shape_cast %get3A_351 : vector<1x16xf32> to vector<16xf32>
        %add3A_353 = arith.addf %get3A_348, %get3A_352 : vector<16xf32>
        %swap3A_354 = arith.index_cast %scan3A_304 : i32 to index
        %swap3A_355 = arith.constant 48 : index
        %swap3A_356 = tpu.vector_load %arg9[%swap3A_354, %swap3A_355] {strides = array<i32>} : memref<200x64xf32, #tpu.memory_space<vmem>>, vector<1x16xf32>,
        %swap3A_357 = vector.shape_cast %swap3A_356 : vector<1x16xf32> to vector<16xf32>
        %swap3A_358 = vector.shape_cast %add3A_353 : vector<16xf32> to vector<1x16xf32>
        tpu.vector_store %arg9[%swap3A_354, %swap3A_355], %swap3A_358 {strides = array<i32>} : memref<200x64xf32, #tpu.memory_space<vmem>>, vector<1x16xf32>,
      }
      %scan3A_220 = arith.constant 200 : i32
      %add3A_221 = arith.addi %mul3A_2, %add3A_194 : i32
      %dma_start3A_222 = arith.constant 0 : i32
      %dma_start3A_223 = arith.constant 0 : i32
      %dma_start3A_224 = tpu.memref_slice %arg5[%add3A_221, %dma_start3A_222, %dma_start3A_223] : memref<1024x200x64xf32, #tpu.memory_space<hbm>> -> memref<1x200x64xf32, #tpu.memory_space<hbm>>
      %dma_start3A_225 = tpu.memref_squeeze %dma_start3A_224 : memref<1x200x64xf32, #tpu.memory_space<hbm>> -> memref<200x64xf32, #tpu.memory_space<hbm>>
      %dma_start3A_226 = arith.constant 0 : i32
      %dma_start3A_227 = arith.constant 0 : i32
      %dma_start3A_228 = tpu.memref_slice %arg5[%add3A_221, %dma_start3A_226, %dma_start3A_227] : memref<1024x200x64xf32, #tpu.memory_space<hbm>> -> memref<1x200x64xf32, #tpu.memory_space<hbm>>
      %dma_start3A_229 = tpu.memref_squeeze %dma_start3A_228 : memref<1x200x64xf32, #tpu.memory_space<hbm>> -> memref<200x64xf32, #tpu.memory_space<hbm>>
      tpu.enqueue_dma source(%arg9 : memref<200x64xf32, #tpu.memory_space<vmem>>) target(%dma_start3A_229 : memref<200x64xf32, #tpu.memory_space<hbm>>) target_semaphore(%arg17 : memref<!tpu.dma_semaphore, #tpu.memory_space<semaphore_mem>>)
      %add3A_230 = arith.constant 2 : i32
      %add3A_231 = arith.addi %mul3A_51, %add3A_230 : i32
      %mul3A_232 = arith.constant 200 : i32
      %mul3A_233 = arith.muli %add3A_231, %mul3A_232 : i32
      %dma_wait3A_234 = arith.constant 0 : i32
      %dma_wait3A_235 = arith.constant 0 : i32
      %dma_wait3A_236 = tpu.memref_slice %arg10[%dma_wait3A_234, %dma_wait3A_235] : memref<200x64xf32, #tpu.memory_space<vmem>> -> memref<128x64xf32, #tpu.memory_space<vmem>>
      %dma_wait3A_237 = tpu.memref_slice %arg6[%mul3A_233] : memref<6400xi32, #tpu.memory_space<vmem>> -> memref<128xi32, #tpu.memory_space<vmem>>
      %dma_wait3A_238 = arith.constant 0 : i32
      %dma_wait3A_239 = arith.constant 0 : i32
      %dma_wait3A_240 = tpu.memref_slice %arg3[%dma_wait3A_238, %dma_wait3A_239] : memref<1000000x64xf32, #tpu.memory_space<hbm>> -> memref<1000000x64xf32, #tpu.memory_space<hbm>>
      tpu.wait_indirect_dma semaphore(%arg14 : memref<!tpu.dma_semaphore, #tpu.memory_space<semaphore_mem>>) src(%dma_wait3A_240 : memref<1000000x64xf32, #tpu.memory_space<hbm>>) dst(%dma_wait3A_236 : memref<128x64xf32, #tpu.memory_space<vmem>>)
      %mul3A_241 = arith.constant 200 : i32
      %mul3A_242 = arith.muli %add3A_231, %mul3A_241 : i32
      %add3A_243 = arith.constant 128 : i32
      %add3A_244 = arith.addi %mul3A_242, %add3A_243 : i32
      %dma_wait3A_245 = arith.constant 128 : i32
      %dma_wait3A_246 = arith.constant 0 : i32
      %dma_wait3A_247 = tpu.memref_slice %arg10[%dma_wait3A_245, %dma_wait3A_246] : memref<200x64xf32, #tpu.memory_space<vmem>> -> memref<72x64xf32, #tpu.memory_space<vmem>>
      %dma_wait3A_248 = tpu.memref_slice %arg6[%add3A_244] : memref<6400xi32, #tpu.memory_space<vmem>> -> memref<72xi32, #tpu.memory_space<vmem>>
      %dma_wait3A_249 = arith.constant 0 : i32
      %dma_wait3A_250 = arith.constant 0 : i32
      %dma_wait3A_251 = tpu.memref_slice %arg3[%dma_wait3A_249, %dma_wait3A_250] : memref<1000000x64xf32, #tpu.memory_space<hbm>> -> memref<1000000x64xf32, #tpu.memory_space<hbm>>
      tpu.wait_indirect_dma semaphore(%arg14 : memref<!tpu.dma_semaphore, #tpu.memory_space<semaphore_mem>>) src(%dma_wait3A_251 : memref<1000000x64xf32, #tpu.memory_space<hbm>>) dst(%dma_wait3A_247 : memref<72x64xf32, #tpu.memory_space<vmem>>)
      %scan3A_252 = arith.constant 0 : i32
      %scan3A_253 = arith.constant 0 : i32
      %scan3A_254 = arith.constant 200 : i32
      %scan3A_255 = arith.addi %scan3A_253, %scan3A_254 : i32
      %scan3A_256 = arith.constant 1 : i32
      scf.for %scan3A_304 = %scan3A_253 to %scan3A_255 step %scan3A_256  : i32 {
        %get3A = arith.index_cast %scan3A_304 : i32 to index
        %get3A_305 = arith.constant 0 : index
        %get3A_306 = tpu.vector_load %arg10[%get3A, %get3A_305] {strides = array<i32>} : memref<200x64xf32, #tpu.memory_space<vmem>>, vector<1x16xf32>,
        %get3A_307 = vector.shape_cast %get3A_306 : vector<1x16xf32> to vector<16xf32>
        %get3A_308 = arith.index_cast %scan3A_304 : i32 to index
        %get3A_309 = arith.constant 0 : index
        %get3A_310 = tpu.vector_load %arg7[%get3A_308, %get3A_309] {strides = array<i32>} : memref<200x64xf32, #tpu.memory_space<vmem>>, vector<1x16xf32>,
        %get3A_311 = vector.shape_cast %get3A_310 : vector<1x16xf32> to vector<16xf32>
        %add3A_312 = arith.addf %get3A_307, %get3A_311 : vector<16xf32>
        %swap3A = arith.index_cast %scan3A_304 : i32 to index
        %swap3A_313 = arith.constant 0 : index
        %swap3A_314 = tpu.vector_load %arg10[%swap3A, %swap3A_313] {strides = array<i32>} : memref<200x64xf32, #tpu.memory_space<vmem>>, vector<1x16xf32>,
        %swap3A_315 = vector.shape_cast %swap3A_314 : vector<1x16xf32> to vector<16xf32>
        %swap3A_316 = vector.shape_cast %add3A_312 : vector<16xf32> to vector<1x16xf32>
        tpu.vector_store %arg10[%swap3A, %swap3A_313], %swap3A_316 {strides = array<i32>} : memref<200x64xf32, #tpu.memory_space<vmem>>, vector<1x16xf32>,
        %get3A_317 = arith.index_cast %scan3A_304 : i32 to index
        %get3A_318 = arith.constant 16 : index
        %get3A_319 = tpu.vector_load %arg10[%get3A_317, %get3A_318] {strides = array<i32>} : memref<200x64xf32, #tpu.memory_space<vmem>>, vector<1x16xf32>,
        %get3A_320 = vector.shape_cast %get3A_319 : vector<1x16xf32> to vector<16xf32>
        %get3A_321 = arith.index_cast %scan3A_304 : i32 to index
        %get3A_322 = arith.constant 16 : index
        %get3A_323 = tpu.vector_load %arg7[%get3A_321, %get3A_322] {strides = array<i32>} : memref<200x64xf32, #tpu.memory_space<vmem>>, vector<1x16xf32>,
        %get3A_324 = vector.shape_cast %get3A_323 : vector<1x16xf32> to vector<16xf32>
        %add3A_325 = arith.addf %get3A_320, %get3A_324 : vector<16xf32>
        %swap3A_326 = arith.index_cast %scan3A_304 : i32 to index
        %swap3A_327 = arith.constant 16 : index
        %swap3A_328 = tpu.vector_load %arg10[%swap3A_326, %swap3A_327] {strides = array<i32>} : memref<200x64xf32, #tpu.memory_space<vmem>>, vector<1x16xf32>,
        %swap3A_329 = vector.shape_cast %swap3A_328 : vector<1x16xf32> to vector<16xf32>
        %swap3A_330 = vector.shape_cast %add3A_325 : vector<16xf32> to vector<1x16xf32>
        tpu.vector_store %arg10[%swap3A_326, %swap3A_327], %swap3A_330 {strides = array<i32>} : memref<200x64xf32, #tpu.memory_space<vmem>>, vector<1x16xf32>,
        %get3A_331 = arith.index_cast %scan3A_304 : i32 to index
        %get3A_332 = arith.constant 32 : index
        %get3A_333 = tpu.vector_load %arg10[%get3A_331, %get3A_332] {strides = array<i32>} : memref<200x64xf32, #tpu.memory_space<vmem>>, vector<1x16xf32>,
        %get3A_334 = vector.shape_cast %get3A_333 : vector<1x16xf32> to vector<16xf32>
        %get3A_335 = arith.index_cast %scan3A_304 : i32 to index
        %get3A_336 = arith.constant 32 : index
        %get3A_337 = tpu.vector_load %arg7[%get3A_335, %get3A_336] {strides = array<i32>} : memref<200x64xf32, #tpu.memory_space<vmem>>, vector<1x16xf32>,
        %get3A_338 = vector.shape_cast %get3A_337 : vector<1x16xf32> to vector<16xf32>
        %add3A_339 = arith.addf %get3A_334, %get3A_338 : vector<16xf32>
        %swap3A_340 = arith.index_cast %scan3A_304 : i32 to index
        %swap3A_341 = arith.constant 32 : index
        %swap3A_342 = tpu.vector_load %arg10[%swap3A_340, %swap3A_341] {strides = array<i32>} : memref<200x64xf32, #tpu.memory_space<vmem>>, vector<1x16xf32>,
        %swap3A_343 = vector.shape_cast %swap3A_342 : vector<1x16xf32> to vector<16xf32>
        %swap3A_344 = vector.shape_cast %add3A_339 : vector<16xf32> to vector<1x16xf32>
        tpu.vector_store %arg10[%swap3A_340, %swap3A_341], %swap3A_344 {strides = array<i32>} : memref<200x64xf32, #tpu.memory_space<vmem>>, vector<1x16xf32>,
        %get3A_345 = arith.index_cast %scan3A_304 : i32 to index
        %get3A_346 = arith.constant 48 : index
        %get3A_347 = tpu.vector_load %arg10[%get3A_345, %get3A_346] {strides = array<i32>} : memref<200x64xf32, #tpu.memory_space<vmem>>, vector<1x16xf32>,
        %get3A_348 = vector.shape_cast %get3A_347 : vector<1x16xf32> to vector<16xf32>
        %get3A_349 = arith.index_cast %scan3A_304 : i32 to index
        %get3A_350 = arith.constant 48 : index
        %get3A_351 = tpu.vector_load %arg7[%get3A_349, %get3A_350] {strides = array<i32>} : memref<200x64xf32, #tpu.memory_space<vmem>>, vector<1x16xf32>,
        %get3A_352 = vector.shape_cast %get3A_351 : vector<1x16xf32> to vector<16xf32>
        %add3A_353 = arith.addf %get3A_348, %get3A_352 : vector<16xf32>
        %swap3A_354 = arith.index_cast %scan3A_304 : i32 to index
        %swap3A_355 = arith.constant 48 : index
        %swap3A_356 = tpu.vector_load %arg10[%swap3A_354, %swap3A_355] {strides = array<i32>} : memref<200x64xf32, #tpu.memory_space<vmem>>, vector<1x16xf32>,
        %swap3A_357 = vector.shape_cast %swap3A_356 : vector<1x16xf32> to vector<16xf32>
        %swap3A_358 = vector.shape_cast %add3A_353 : vector<16xf32> to vector<1x16xf32>
        tpu.vector_store %arg10[%swap3A_354, %swap3A_355], %swap3A_358 {strides = array<i32>} : memref<200x64xf32, #tpu.memory_space<vmem>>, vector<1x16xf32>,
      }
      %scan3A_257 = arith.constant 200 : i32
      %add3A_258 = arith.addi %mul3A_2, %add3A_231 : i32
      %dma_start3A_259 = arith.constant 0 : i32
      %dma_start3A_260 = arith.constant 0 : i32
      %dma_start3A_261 = tpu.memref_slice %arg5[%add3A_258, %dma_start3A_259, %dma_start3A_260] : memref<1024x200x64xf32, #tpu.memory_space<hbm>> -> memref<1x200x64xf32, #tpu.memory_space<hbm>>
      %dma_start3A_262 = tpu.memref_squeeze %dma_start3A_261 : memref<1x200x64xf32, #tpu.memory_space<hbm>> -> memref<200x64xf32, #tpu.memory_space<hbm>>
      %dma_start3A_263 = arith.constant 0 : i32
      %dma_start3A_264 = arith.constant 0 : i32
      %dma_start3A_265 = tpu.memref_slice %arg5[%add3A_258, %dma_start3A_263, %dma_start3A_264] : memref<1024x200x64xf32, #tpu.memory_space<hbm>> -> memref<1x200x64xf32, #tpu.memory_space<hbm>>
      %dma_start3A_266 = tpu.memref_squeeze %dma_start3A_265 : memref<1x200x64xf32, #tpu.memory_space<hbm>> -> memref<200x64xf32, #tpu.memory_space<hbm>>
      tpu.enqueue_dma source(%arg10 : memref<200x64xf32, #tpu.memory_space<vmem>>) target(%dma_start3A_266 : memref<200x64xf32, #tpu.memory_space<hbm>>) target_semaphore(%arg18 : memref<!tpu.dma_semaphore, #tpu.memory_space<semaphore_mem>>)
      %add3A_267 = arith.constant 3 : i32
      %add3A_268 = arith.addi %mul3A_51, %add3A_267 : i32
      %mul3A_269 = arith.constant 200 : i32
      %mul3A_270 = arith.muli %add3A_268, %mul3A_269 : i32
      %dma_wait3A_271 = arith.constant 0 : i32
      %dma_wait3A_272 = arith.constant 0 : i32
      %dma_wait3A_273 = tpu.memref_slice %arg11[%dma_wait3A_271, %dma_wait3A_272] : memref<200x64xf32, #tpu.memory_space<vmem>> -> memref<128x64xf32, #tpu.memory_space<vmem>>
      %dma_wait3A_274 = tpu.memref_slice %arg6[%mul3A_270] : memref<6400xi32, #tpu.memory_space<vmem>> -> memref<128xi32, #tpu.memory_space<vmem>>
      %dma_wait3A_275 = arith.constant 0 : i32
      %dma_wait3A_276 = arith.constant 0 : i32
      %dma_wait3A_277 = tpu.memref_slice %arg3[%dma_wait3A_275, %dma_wait3A_276] : memref<1000000x64xf32, #tpu.memory_space<hbm>> -> memref<1000000x64xf32, #tpu.memory_space<hbm>>
      tpu.wait_indirect_dma semaphore(%arg15 : memref<!tpu.dma_semaphore, #tpu.memory_space<semaphore_mem>>) src(%dma_wait3A_277 : memref<1000000x64xf32, #tpu.memory_space<hbm>>) dst(%dma_wait3A_273 : memref<128x64xf32, #tpu.memory_space<vmem>>)
      %mul3A_278 = arith.constant 200 : i32
      %mul3A_279 = arith.muli %add3A_268, %mul3A_278 : i32
      %add3A_280 = arith.constant 128 : i32
      %add3A_281 = arith.addi %mul3A_279, %add3A_280 : i32
      %dma_wait3A_282 = arith.constant 128 : i32
      %dma_wait3A_283 = arith.constant 0 : i32
      %dma_wait3A_284 = tpu.memref_slice %arg11[%dma_wait3A_282, %dma_wait3A_283] : memref<200x64xf32, #tpu.memory_space<vmem>> -> memref<72x64xf32, #tpu.memory_space<vmem>>
      %dma_wait3A_285 = tpu.memref_slice %arg6[%add3A_281] : memref<6400xi32, #tpu.memory_space<vmem>> -> memref<72xi32, #tpu.memory_space<vmem>>
      %dma_wait3A_286 = arith.constant 0 : i32
      %dma_wait3A_287 = arith.constant 0 : i32
      %dma_wait3A_288 = tpu.memref_slice %arg3[%dma_wait3A_286, %dma_wait3A_287] : memref<1000000x64xf32, #tpu.memory_space<hbm>> -> memref<1000000x64xf32, #tpu.memory_space<hbm>>
      tpu.wait_indirect_dma semaphore(%arg15 : memref<!tpu.dma_semaphore, #tpu.memory_space<semaphore_mem>>) src(%dma_wait3A_288 : memref<1000000x64xf32, #tpu.memory_space<hbm>>) dst(%dma_wait3A_284 : memref<72x64xf32, #tpu.memory_space<vmem>>)
      %scan3A_289 = arith.constant 0 : i32
      %scan3A_290 = arith.constant 0 : i32
      %scan3A_291 = arith.constant 200 : i32
      %scan3A_292 = arith.addi %scan3A_290, %scan3A_291 : i32
      %scan3A_293 = arith.constant 1 : i32
      scf.for %scan3A_304 = %scan3A_290 to %scan3A_292 step %scan3A_293  : i32 {
        %get3A = arith.index_cast %scan3A_304 : i32 to index
        %get3A_305 = arith.constant 0 : index
        %get3A_306 = tpu.vector_load %arg11[%get3A, %get3A_305] {strides = array<i32>} : memref<200x64xf32, #tpu.memory_space<vmem>>, vector<1x16xf32>,
        %get3A_307 = vector.shape_cast %get3A_306 : vector<1x16xf32> to vector<16xf32>
        %get3A_308 = arith.index_cast %scan3A_304 : i32 to index
        %get3A_309 = arith.constant 0 : index
        %get3A_310 = tpu.vector_load %arg7[%get3A_308, %get3A_309] {strides = array<i32>} : memref<200x64xf32, #tpu.memory_space<vmem>>, vector<1x16xf32>,
        %get3A_311 = vector.shape_cast %get3A_310 : vector<1x16xf32> to vector<16xf32>
        %add3A_312 = arith.addf %get3A_307, %get3A_311 : vector<16xf32>
        %swap3A = arith.index_cast %scan3A_304 : i32 to index
        %swap3A_313 = arith.constant 0 : index
        %swap3A_314 = tpu.vector_load %arg11[%swap3A, %swap3A_313] {strides = array<i32>} : memref<200x64xf32, #tpu.memory_space<vmem>>, vector<1x16xf32>,
        %swap3A_315 = vector.shape_cast %swap3A_314 : vector<1x16xf32> to vector<16xf32>
        %swap3A_316 = vector.shape_cast %add3A_312 : vector<16xf32> to vector<1x16xf32>
        tpu.vector_store %arg11[%swap3A, %swap3A_313], %swap3A_316 {strides = array<i32>} : memref<200x64xf32, #tpu.memory_space<vmem>>, vector<1x16xf32>,
        %get3A_317 = arith.index_cast %scan3A_304 : i32 to index
        %get3A_318 = arith.constant 16 : index
        %get3A_319 = tpu.vector_load %arg11[%get3A_317, %get3A_318] {strides = array<i32>} : memref<200x64xf32, #tpu.memory_space<vmem>>, vector<1x16xf32>,
        %get3A_320 = vector.shape_cast %get3A_319 : vector<1x16xf32> to vector<16xf32>
        %get3A_321 = arith.index_cast %scan3A_304 : i32 to index
        %get3A_322 = arith.constant 16 : index
        %get3A_323 = tpu.vector_load %arg7[%get3A_321, %get3A_322] {strides = array<i32>} : memref<200x64xf32, #tpu.memory_space<vmem>>, vector<1x16xf32>,
        %get3A_324 = vector.shape_cast %get3A_323 : vector<1x16xf32> to vector<16xf32>
        %add3A_325 = arith.addf %get3A_320, %get3A_324 : vector<16xf32>
        %swap3A_326 = arith.index_cast %scan3A_304 : i32 to index
        %swap3A_327 = arith.constant 16 : index
        %swap3A_328 = tpu.vector_load %arg11[%swap3A_326, %swap3A_327] {strides = array<i32>} : memref<200x64xf32, #tpu.memory_space<vmem>>, vector<1x16xf32>,
        %swap3A_329 = vector.shape_cast %swap3A_328 : vector<1x16xf32> to vector<16xf32>
        %swap3A_330 = vector.shape_cast %add3A_325 : vector<16xf32> to vector<1x16xf32>
        tpu.vector_store %arg11[%swap3A_326, %swap3A_327], %swap3A_330 {strides = array<i32>} : memref<200x64xf32, #tpu.memory_space<vmem>>, vector<1x16xf32>,
        %get3A_331 = arith.index_cast %scan3A_304 : i32 to index
        %get3A_332 = arith.constant 32 : index
        %get3A_333 = tpu.vector_load %arg11[%get3A_331, %get3A_332] {strides = array<i32>} : memref<200x64xf32, #tpu.memory_space<vmem>>, vector<1x16xf32>,
        %get3A_334 = vector.shape_cast %get3A_333 : vector<1x16xf32> to vector<16xf32>
        %get3A_335 = arith.index_cast %scan3A_304 : i32 to index
        %get3A_336 = arith.constant 32 : index
        %get3A_337 = tpu.vector_load %arg7[%get3A_335, %get3A_336] {strides = array<i32>} : memref<200x64xf32, #tpu.memory_space<vmem>>, vector<1x16xf32>,
        %get3A_338 = vector.shape_cast %get3A_337 : vector<1x16xf32> to vector<16xf32>
        %add3A_339 = arith.addf %get3A_334, %get3A_338 : vector<16xf32>
        %swap3A_340 = arith.index_cast %scan3A_304 : i32 to index
        %swap3A_341 = arith.constant 32 : index
        %swap3A_342 = tpu.vector_load %arg11[%swap3A_340, %swap3A_341] {strides = array<i32>} : memref<200x64xf32, #tpu.memory_space<vmem>>, vector<1x16xf32>,
        %swap3A_343 = vector.shape_cast %swap3A_342 : vector<1x16xf32> to vector<16xf32>
        %swap3A_344 = vector.shape_cast %add3A_339 : vector<16xf32> to vector<1x16xf32>
        tpu.vector_store %arg11[%swap3A_340, %swap3A_341], %swap3A_344 {strides = array<i32>} : memref<200x64xf32, #tpu.memory_space<vmem>>, vector<1x16xf32>,
        %get3A_345 = arith.index_cast %scan3A_304 : i32 to index
        %get3A_346 = arith.constant 48 : index
        %get3A_347 = tpu.vector_load %arg11[%get3A_345, %get3A_346] {strides = array<i32>} : memref<200x64xf32, #tpu.memory_space<vmem>>, vector<1x16xf32>,
        %get3A_348 = vector.shape_cast %get3A_347 : vector<1x16xf32> to vector<16xf32>
        %get3A_349 = arith.index_cast %scan3A_304 : i32 to index
        %get3A_350 = arith.constant 48 : index
        %get3A_351 = tpu.vector_load %arg7[%get3A_349, %get3A_350] {strides = array<i32>} : memref<200x64xf32, #tpu.memory_space<vmem>>, vector<1x16xf32>,
        %get3A_352 = vector.shape_cast %get3A_351 : vector<1x16xf32> to vector<16xf32>
        %add3A_353 = arith.addf %get3A_348, %get3A_352 : vector<16xf32>
        %swap3A_354 = arith.index_cast %scan3A_304 : i32 to index
        %swap3A_355 = arith.constant 48 : index
        %swap3A_356 = tpu.vector_load %arg11[%swap3A_354, %swap3A_355] {strides = array<i32>} : memref<200x64xf32, #tpu.memory_space<vmem>>, vector<1x16xf32>,
        %swap3A_357 = vector.shape_cast %swap3A_356 : vector<1x16xf32> to vector<16xf32>
        %swap3A_358 = vector.shape_cast %add3A_353 : vector<16xf32> to vector<1x16xf32>
        tpu.vector_store %arg11[%swap3A_354, %swap3A_355], %swap3A_358 {strides = array<i32>} : memref<200x64xf32, #tpu.memory_space<vmem>>, vector<1x16xf32>,
      }
      %scan3A_294 = arith.constant 200 : i32
      %add3A_295 = arith.addi %mul3A_2, %add3A_268 : i32
      %dma_start3A_296 = arith.constant 0 : i32
      %dma_start3A_297 = arith.constant 0 : i32
      %dma_start3A_298 = tpu.memref_slice %arg5[%add3A_295, %dma_start3A_296, %dma_start3A_297] : memref<1024x200x64xf32, #tpu.memory_space<hbm>> -> memref<1x200x64xf32, #tpu.memory_space<hbm>>
      %dma_start3A_299 = tpu.memref_squeeze %dma_start3A_298 : memref<1x200x64xf32, #tpu.memory_space<hbm>> -> memref<200x64xf32, #tpu.memory_space<hbm>>
      %dma_start3A_300 = arith.constant 0 : i32
      %dma_start3A_301 = arith.constant 0 : i32
      %dma_start3A_302 = tpu.memref_slice %arg5[%add3A_295, %dma_start3A_300, %dma_start3A_301] : memref<1024x200x64xf32, #tpu.memory_space<hbm>> -> memref<1x200x64xf32, #tpu.memory_space<hbm>>
      %dma_start3A_303 = tpu.memref_squeeze %dma_start3A_302 : memref<1x200x64xf32, #tpu.memory_space<hbm>> -> memref<200x64xf32, #tpu.memory_space<hbm>>
      tpu.enqueue_dma source(%arg11 : memref<200x64xf32, #tpu.memory_space<vmem>>) target(%dma_start3A_303 : memref<200x64xf32, #tpu.memory_space<hbm>>) target_semaphore(%arg19 : memref<!tpu.dma_semaphore, #tpu.memory_space<semaphore_mem>>)
    }
    %scan3A_9 = arith.constant 8 : i32
    %add3A_10 = arith.constant 28 : i32
    %add3A_11 = arith.addi %mul3A_2, %add3A_10 : i32
    %dma_wait3A = arith.constant 0 : i32
    %dma_wait3A_12 = arith.constant 0 : i32
    %dma_wait3A_13 = tpu.memref_slice %arg5[%add3A_11, %dma_wait3A, %dma_wait3A_12] : memref<1024x200x64xf32, #tpu.memory_space<hbm>> -> memref<1x200x64xf32, #tpu.memory_space<hbm>>
    %dma_wait3A_14 = tpu.memref_squeeze %dma_wait3A_13 : memref<1x200x64xf32, #tpu.memory_space<hbm>> -> memref<200x64xf32, #tpu.memory_space<hbm>>
    %dma_wait3A_15 = arith.constant 0 : i32
    %dma_wait3A_16 = arith.constant 0 : i32
    %dma_wait3A_17 = tpu.memref_slice %arg5[%add3A_11, %dma_wait3A_15, %dma_wait3A_16] : memref<1024x200x64xf32, #tpu.memory_space<hbm>> -> memref<1x200x64xf32, #tpu.memory_space<hbm>>
    %dma_wait3A_18 = tpu.memref_squeeze %dma_wait3A_17 : memref<1x200x64xf32, #tpu.memory_space<hbm>> -> memref<200x64xf32, #tpu.memory_space<hbm>>
    tpu.wait_dma2 semaphore(%arg16 : memref<!tpu.dma_semaphore, #tpu.memory_space<semaphore_mem>>) src(%arg8 : memref<200x64xf32, #tpu.memory_space<vmem>>) dst(%dma_wait3A_18 : memref<200x64xf32, #tpu.memory_space<hbm>>)
    %add3A_19 = arith.constant 29 : i32
    %add3A_20 = arith.addi %mul3A_2, %add3A_19 : i32
    %dma_wait3A_21 = arith.constant 0 : i32
    %dma_wait3A_22 = arith.constant 0 : i32
    %dma_wait3A_23 = tpu.memref_slice %arg5[%add3A_20, %dma_wait3A_21, %dma_wait3A_22] : memref<1024x200x64xf32, #tpu.memory_space<hbm>> -> memref<1x200x64xf32, #tpu.memory_space<hbm>>
    %dma_wait3A_24 = tpu.memref_squeeze %dma_wait3A_23 : memref<1x200x64xf32, #tpu.memory_space<hbm>> -> memref<200x64xf32, #tpu.memory_space<hbm>>
    %dma_wait3A_25 = arith.constant 0 : i32
    %dma_wait3A_26 = arith.constant 0 : i32
    %dma_wait3A_27 = tpu.memref_slice %arg5[%add3A_20, %dma_wait3A_25, %dma_wait3A_26] : memref<1024x200x64xf32, #tpu.memory_space<hbm>> -> memref<1x200x64xf32, #tpu.memory_space<hbm>>
    %dma_wait3A_28 = tpu.memref_squeeze %dma_wait3A_27 : memref<1x200x64xf32, #tpu.memory_space<hbm>> -> memref<200x64xf32, #tpu.memory_space<hbm>>
    tpu.wait_dma2 semaphore(%arg17 : memref<!tpu.dma_semaphore, #tpu.memory_space<semaphore_mem>>) src(%arg9 : memref<200x64xf32, #tpu.memory_space<vmem>>) dst(%dma_wait3A_28 : memref<200x64xf32, #tpu.memory_space<hbm>>)
    %add3A_29 = arith.constant 30 : i32
    %add3A_30 = arith.addi %mul3A_2, %add3A_29 : i32
    %dma_wait3A_31 = arith.constant 0 : i32
    %dma_wait3A_32 = arith.constant 0 : i32
    %dma_wait3A_33 = tpu.memref_slice %arg5[%add3A_30, %dma_wait3A_31, %dma_wait3A_32] : memref<1024x200x64xf32, #tpu.memory_space<hbm>> -> memref<1x200x64xf32, #tpu.memory_space<hbm>>
    %dma_wait3A_34 = tpu.memref_squeeze %dma_wait3A_33 : memref<1x200x64xf32, #tpu.memory_space<hbm>> -> memref<200x64xf32, #tpu.memory_space<hbm>>
    %dma_wait3A_35 = arith.constant 0 : i32
    %dma_wait3A_36 = arith.constant 0 : i32
    %dma_wait3A_37 = tpu.memref_slice %arg5[%add3A_30, %dma_wait3A_35, %dma_wait3A_36] : memref<1024x200x64xf32, #tpu.memory_space<hbm>> -> memref<1x200x64xf32, #tpu.memory_space<hbm>>
    %dma_wait3A_38 = tpu.memref_squeeze %dma_wait3A_37 : memref<1x200x64xf32, #tpu.memory_space<hbm>> -> memref<200x64xf32, #tpu.memory_space<hbm>>
    tpu.wait_dma2 semaphore(%arg18 : memref<!tpu.dma_semaphore, #tpu.memory_space<semaphore_mem>>) src(%arg10 : memref<200x64xf32, #tpu.memory_space<vmem>>) dst(%dma_wait3A_38 : memref<200x64xf32, #tpu.memory_space<hbm>>)
    %add3A_39 = arith.constant 31 : i32
    %add3A_40 = arith.addi %mul3A_2, %add3A_39 : i32
    %dma_wait3A_41 = arith.constant 0 : i32
    %dma_wait3A_42 = arith.constant 0 : i32
    %dma_wait3A_43 = tpu.memref_slice %arg5[%add3A_40, %dma_wait3A_41, %dma_wait3A_42] : memref<1024x200x64xf32, #tpu.memory_space<hbm>> -> memref<1x200x64xf32, #tpu.memory_space<hbm>>
    %dma_wait3A_44 = tpu.memref_squeeze %dma_wait3A_43 : memref<1x200x64xf32, #tpu.memory_space<hbm>> -> memref<200x64xf32, #tpu.memory_space<hbm>>
    %dma_wait3A_45 = arith.constant 0 : i32
    %dma_wait3A_46 = arith.constant 0 : i32
    %dma_wait3A_47 = tpu.memref_slice %arg5[%add3A_40, %dma_wait3A_45, %dma_wait3A_46] : memref<1024x200x64xf32, #tpu.memory_space<hbm>> -> memref<1x200x64xf32, #tpu.memory_space<hbm>>
    %dma_wait3A_48 = tpu.memref_squeeze %dma_wait3A_47 : memref<1x200x64xf32, #tpu.memory_space<hbm>> -> memref<200x64xf32, #tpu.memory_space<hbm>>
    tpu.wait_dma2 semaphore(%arg19 : memref<!tpu.dma_semaphore, #tpu.memory_space<semaphore_mem>>) src(%arg11 : memref<200x64xf32, #tpu.memory_space<vmem>>) dst(%dma_wait3A_48 : memref<200x64xf32, #tpu.memory_space<hbm>>)
    return
  }
}

</mosaic_0001>

<sc_bundles>
// kernel: kernel.3.cloned.1.call-start
scs
__scs_entry_jumppad:
0x0: {  	(pc) =	sbr.rel $0x88, $3  }
0x1: {  	(tag) =	ssettag $0x0;
	lr =	simm.s32 $0x1  }
0x2: {  	[smem:$0x3F9F] =	sst lr;
	_ =	strace $0xD0000000  }
0x3: {  	_ = 	snop  }
0x4: {  	_ = 	snop  }
0x5: {  	_ = 	snop  }
0x6: {  	_ = 	snop  }
0x7: {  	_ = 	snop  }
__scs_overlays_trampoline_lowered:
0x8: {  	[smem:$0x3FAE] =	sst s0  }
0x9: {  	[smem:$0x3FAF] =	sst s1  }
0xa: {  	[smem:$0x3FB0] =	sst s2  }
0xb: {  	[smem:$0x3FB1] =	sst s3  }
0xc: {  	[smem:$0x3FB2] =	sst s4  }
0xd: {  	[smem:$0x3FB3] =	sst s5  }
0xe: {  	[smem:$0x3FB4] =	sst s6  }
0xf: {  	[smem:$0x3FB5] =	sst s7  }
0x10: {  	[smem:$0x3FB6] =	sst s8  }
0x11: {  	[smem:$0x3FB7] =	sst s9;
	s0 =	simm.s32 @!p0 $0x0  }
0x12: {  	s1 =	sld [smem:$0x3F9D];
	s0 =	simm.s32 @p0 $0x1  }
0x13: {  	[smem:$0x3FB8] =	sst s0;
	s0 =	simm.s32 @!p1 $0x0  }
0x14: {  	s2 =	sld [smem:$0x3F9C];
	s0 =	simm.s32 @p1 $0x1  }
0x15: {  	[smem:$0x3FB9] =	sst s0;
	s0 =	simm.s32 @!p2 $0x0  }
0x16: {  	s3 =	sld [smem:$0x3FDB];
	s0 =	simm.s32 @p2 $0x1  }
0x17: {  	s4 =	simm.s32 $0x1BF5;
	[smem:$0x3FBB] =	sst s0  }
0x18: {  	s0 =	sld [smem:$0x3F9E];
	_ =	swait.ge [sflag:s4], $0x0  }
0x19: {  	s7 =	sld [smem:$0x3F9F]  }
0x1a: {  	s8 =	sadd.s32 $0xFFFFE003, lr  }
0x1b: {  	s9 =	sadd.s32 $0xFFFFFEF7, lr;
	s5 =	simm.s32 $0xFFFFFFFF;
	p2 =	slt.u32 s8, $0xFFFFF086  }
0x1c: {  	p1 =	slt.u32 s9, $0xF7A;
	s5 =	simm.s32 @!p2 $0x0  }
0x1d: {  	s5 =	simm.s32 @p1 $0x1;
	p0 =	seq.s32 s7, s2  }
0x1e: {  	s7 =	smul.u32 @!p0 $0xF7A, s2;
	p2 =	seq.s32 @!p0 s5, $0x0  }
0x1f: {  	s9 =	smul.u32 $0xF7A, s1;
	s8 =	simm.s32 @!p0 $0x1BF5;
	p2 =	por !p2, p0  }
0x20: {  	[sflag:s8] =	ssyncset.s32 @!p0 $0xFFFFF086;
	s6 =	sadd.s32 @!p0 s3, s7;
	s7 =	simm.s32 @!p0 $0x108  }
0x21: {  	s3 =	sadd.s32 s3, s9;
	s6 =	sadd.s32 @!p0 $0x88, s6;
	s7 =	simm.s32 @p2 $0x1082  }
0x22: {  	[simem:s7], [sflag:s8] =	dma.local @!p0 [hbm:s6], $0xF7A  }
0x23: {  	s9 =	sor.u32 $0xD0000000, s2;
	s6 =	simm.s32 $0x108;
	_ =	swait.ge @!p0 [sflag:s8], $0x0  }
0x24: {  	s3 =	sadd.s32 $0x88, s3;
	s6 =	simm.s32 @!p1 $0x1082;
	[sflag:s4] =	ssyncset.s32 $0xFFFFF086  }
0x25: {  	[simem:s6], [sflag:s4] =	dma.local [hbm:s3], $0xF7A  }
0x26: {  	[smem:$0x3F9F] =	sst s1;
	(tag) =	ssettag s2;
	_ =	strace s9  }
0x27: {  	s1 =	sld [smem:$0x3FAF]  }
0x28: {  	s2 =	sld [smem:$0x3FB0]  }
0x29: {  	s4 =	sld [smem:$0x3FB2]  }
0x2a: {  	p0 =	seq.s32 s5, $0x0;
	s5 =	sld [smem:$0x3FB3]  }
0x2b: {  	s6 =	sld [smem:$0x3FB4]  }
0x2c: {  	s7 =	sld [smem:$0x3FB5]  }
0x2d: {  	s3 =	simm.s32 $0x108;
	s8 =	sld [smem:$0x3FB6]  }
0x2e: {  	s3 =	simm.s32 @!p0 $0x1082;
	s9 =	sld [smem:$0x3FB7]  }
0x2f: {  	lr =	sadd.s32 s0, s3;
	s0 =	sld [smem:$0x3FAE]  }
0x30: {  	s3 =	sld [smem:$0x3FB1]  }
0x31: {  	[smem:$0x3FBA] =	sst s10  }
0x32: {  	s10 =	sld [smem:$0x3FB8];
	_ =	sdelay $0x3  }
0x33: {  	p0 =	seq.s32 s10, $0x1;
	s10 =	sld [smem:$0x3FBA];
	_ =	sdelay $0x3  }
0x34: {  	[smem:$0x3FBA] =	sst s10  }
0x35: {  	s10 =	sld [smem:$0x3FB9];
	_ =	sdelay $0x3  }
0x36: {  	p1 =	seq.s32 s10, $0x1;
	s10 =	sld [smem:$0x3FBA];
	_ =	sdelay $0x3  }
0x37: {  	[smem:$0x3FBA] =	sst s10  }
0x38: {  	s10 =	sld [smem:$0x3FBB]  }
0x39: {  	_ = 	snop;
	(pc) =	sbr.ind lr, $3  }
0x3a: {  	_ = 	snop  }
0x3b: {  	_ = 	snop  }
0x3c: {  	p2 =	seq.s32 s10, $0x1;
	s10 =	sld [smem:$0x3FBA]  }
0x3d: {  	_ =	shalt  }
0x3e: {  	_ =	shalt  }
0x3f: {  	_ =	shalt  }
0x40: {  	_ =	shalt  }
0x41: {  	_ =	shalt  }
0x42: {  	_ =	shalt  }
0x43: {  	_ =	shalt  }
0x44: {  	_ =	shalt  }
0x45: {  	_ =	shalt  }
0x46: {  	_ =	shalt  }
0x47: {  	_ =	shalt  }
0x48: {  	_ =	shalt  }
0x49: {  	_ =	shalt  }
0x4a: {  	_ =	shalt  }
0x4b: {  	_ =	shalt  }
0x4c: {  	_ =	shalt  }
0x4d: {  	_ =	shalt  }
0x4e: {  	_ =	shalt  }
0x4f: {  	_ =	shalt  }
0x50: {  	_ =	shalt  }
0x51: {  	_ =	shalt  }
0x52: {  	_ =	shalt  }
0x53: {  	_ =	shalt  }
0x54: {  	_ =	shalt  }
0x55: {  	_ =	shalt  }
0x56: {  	_ =	shalt  }
0x57: {  	_ =	shalt  }
0x58: {  	_ =	shalt  }
0x59: {  	_ =	shalt  }
0x5a: {  	_ =	shalt  }
0x5b: {  	_ =	shalt  }
0x5c: {  	_ =	shalt  }
0x5d: {  	_ =	shalt  }
0x5e: {  	_ =	shalt  }
0x5f: {  	_ =	shalt  }
0x60: {  	_ =	shalt  }
0x61: {  	_ =	shalt  }
0x62: {  	_ =	shalt  }
0x63: {  	_ =	shalt  }
0x64: {  	_ =	shalt  }
0x65: {  	_ =	shalt  }
0x66: {  	_ =	shalt  }
0x67: {  	_ =	shalt  }
0x68: {  	_ =	shalt  }
0x69: {  	_ =	shalt  }
0x6a: {  	_ =	shalt  }
0x6b: {  	_ =	shalt  }
0x6c: {  	_ =	shalt  }
0x6d: {  	_ =	shalt  }
0x6e: {  	_ =	shalt  }
0x6f: {  	_ =	shalt  }
0x70: {  	_ =	shalt  }
0x71: {  	_ =	shalt  }
0x72: {  	_ =	shalt  }
0x73: {  	_ =	shalt  }
0x74: {  	_ =	shalt  }
0x75: {  	_ =	shalt  }
0x76: {  	_ =	shalt  }
0x77: {  	_ =	shalt  }
0x78: {  	_ =	shalt  }
0x79: {  	_ =	shalt  }
0x7a: {  	_ =	shalt  }
0x7b: {  	_ =	shalt  }
0x7c: {  	_ =	shalt  }
0x7d: {  	_ =	shalt  }
0x7e: {  	_ =	shalt  }
0x7f: {  	_ =	shalt  }
0x80: {  	_ =	shalt  }
0x81: {  	_ =	shalt  }
0x82: {  	_ =	shalt  }
0x83: {  	_ =	shalt  }
0x84: {  	_ =	shalt  }
0x85: {  	_ =	shalt  }
0x86: {  	_ =	shalt  }
0x87: {  	_ =	shalt  }
.Lfunc_end0:
.L_simem_size_0:
called_computation.1_lowered:
.L_overlay_start_0:
0x88: {  	s2 =	sld [smem:$0x3FD9]  }
0x89: {  	s3 =	sld [smem:$0x3FFE];
	_ =	sdelay $0x1  }
0x8a: {  	s1 =	srdreg.scid  }
0x8b: {  	s0 =	sand.u32 $0x1, s1  }
0x8c: {  	s17 =	sshll.u32 s0, $0xA;
	s2 =	sadd.s32 s3, s2  }
0x8d: {  	s2 =	sadd.s32 s2, s17  }
0x8e: {  	[smem:$0x3FC6] =	sst s2  }
0x8f: {  	_ = 	snop  }
0x90: {  	s2 =	sld [smem:$0x3FD0];
	(tm) =	ssettm $0x1  }
0x91: {  	s18 =	sld [smem:$0x3FFB];
	_ =	sdelay $0x3  }
0x92: {  	_ =	strace s18  }
0x93: {  	s3 =	sld [smem:$0x3FFC];
	_ =	sdelay $0x3  }
0x94: {  	_ =	strace s3  }
0x95: {  	s3 =	sld [smem:$0x3FFD];
	_ =	sdelay $0x3  }
0x96: {  	_ =	strace s3  }
0x97: {  	_ =	strace $0x8FFFFFFF  }
0x98: {  	s19 =	sld [smem:$0x3FDB];
	_ =	sdelay $0x1  }
0x99: {  	s4 =	simm.s32 $_scs_section_size  }
0x9a: {  	s5 =	simm.s32 $_size__tile_overlayer_lowered;
	s6 =	simm.s32 $_tile_overlayer_lowered  }
0x9b: {  	s22 =	simm.s32 $0x1BFF;
	s21 =	sshll.u32 s6, $0x1;
	s3 =	sadd.s32 s4, s19  }
0x9c: {  	s7 =	simm.s32 $0x0;
	s20 =	sshll.u32 s5, $0x1;
	s5 =	sadd.s32 s21, s3  }
0x9d: {  	[timem:s7], [sflag:s22] =	dma.local [hbm:s5], s20  }
0x9e: {  	_ =	swait.ge [sflag:s22], s20  }
0x9f: {  	s4 =	ssub.s32 $0x0, s20;
	[sflag:s22] =	ssyncset.done $0x0  }
0xa0: {  	[sflag:s22] =	ssyncadd.s32 s4;
	_ =	sdelay $0x1  }
0xa1: {  	s23 =	simm.s32 $0x1B8B  }
0xa2: {  	_ =	swait.ge [sflag:s23], $0x1  }
0xa3: {  	[sflag:s23] =	ssyncset.done $0x0  }
0xa4: {  	s25 =	simm.s32 $0x1B8E;
	s24 =	sld [smem:$0x3FFE];
	[sflag:s23] =	ssyncadd.s32 $0xFFFFFFFF  }
0xa5: {  	s26 =	simm.s32 $execute0_lowered;
	[smem:$0x3FD2] =	sst s25  }
0xa6: {  	s5 =	sshll.u32 s26, $0x1;
	_ =	strace $0x80000046;
	[dreg:$0x1] =	wrdreg $0xFFFFFFFF  }
0xa7: {  	s28 =	simm.s32 $_size_execute0_lowered;
	s3 =	sadd.s32 s3, s5;
	[dreg:$0x0] =	wrdreg $0x0  }
0xa8: {  	s5 =	sshll.u32 s28, $0x1;
	[dreg:$0x2] =	wrdreg s3  }
0xa9: {  	[dreg:$0x3] =	wrdreg s5  }
0xaa: {  	[dreg:$0x4] =	wrdreg $0xC0  }
0xab: {  	_ =	task [dreg:s7], $0x5FFFF  }
0xac: {  	[dreg:$0x1] =	wrdreg $0xFFFFFFFF  }
0xad: {  	[dreg:$0x0] =	wrdreg $0x60  }
0xae: {  	[dreg:$0x2] =	wrdreg s24  }
0xaf: {  	[dreg:$0x3] =	wrdreg s2  }
0xb0: {  	[dreg:$0x4] =	wrdreg $0x9  }
0xb1: {  	_ =	task.clear_ibuf [dreg:s7], $0x5FFFF;
	_ =	strace $0x90000046  }
0xb2: {  	s29 =	simm.s32 $0x9;
	_ =	strace $0x80000048  }
0xb3: {  	_ =	swait.ge [sflag:s29], $0x1  }
0xb4: {  	[sflag:s29] =	ssyncadd.s32 $0xFFFFFFFF  }
0xb5: {  	_ =	strace $0x90000048  }
0xb6: {  	_ =	sfence  }
0xb7: {  	s30 =	sld [smem:$0x0];
	_ =	sdelay $0x2  }
0xb8: {  	s31 =	sshll.u32 s1, $0xD;
	s1 =	sshrl.u32 s1, $0x2  }
0xb9: {  	s3 =	sand.u32 $0x4000, s31;
	s1 =	sadd.s32 s1, s30  }
0xba: {  	s0 =	sor.u32 s3, s0;
	s1 =	sshll.u32 s1, $0x11  }
0xbb: {  	s0 =	sor.u32 s1, s0  }
0xbc: {  	s0 =	sadd.s32 $0x8F2B, s0  }
0xbd: {  	[sflag:s0] =	ssyncadd.remote.s32 $0x1  }
0xbe: {  	_ =	sfence.sel $0xFFFF  }
0xbf: {  	[dreg:$0x0] =	wrdreg $0xFFFFFFFF;
	(pc) =	sbr.abs _section_cstart, $3  }
0xc0: {  	[dreg:$0x1] =	wrdreg $0xFFFFFFFF  }
0xc1: {  	_ =	task.clear_ibuf [dreg:s7], $0x2FFFF;
	_ =	strace $0x9FFFFFFF  }
0xc2: {  	(tm) =	ssettm $0x7FFFFFFF  }
0xc3: {  	_ =	shalt  }
tec
execute0_lowered:
.L_overlay_start_1:
0x0: {  	(tag) =	ssettag $0x1  }
0x1: {  	s0 =	srdreg.scid  }
0x2: {  	s2 =	stileid.u32;
	s1 =	rddreg [dreg:$0x0]  }
0x3: {  	s9 =	simm.s32 $0x9;
	s11 =	simm.s32 $0x80;
	s12 =	simm.s32 $0xE100  }
0x4: {  	s13 =	simm.s32 $0x48;
	s14 =	simm.s32 $0x10100;
	s15 =	simm.s32 $0x1  }
0x5: {  	s16 =	simm.s32 $0x4B00;
	s17 =	simm.s32 $0x2;
	s18 =	simm.s32 $0x7D00  }
0x6: {  	s19 =	simm.s32 $0x3;
	s20 =	simm.s32 $0xAF00;
	s21 =	simm.s32 $0x4  }
0x7: {  	s22 =	simm.s32 $0x5;
	s23 =	simm.s32 $0x6;
	s24 =	simm.s32 $0x7  }
0x8: {  	s25 =	simm.s32 $0x8;
	s0 =	sand.u32 $0x1, s0;
	s3 =	sshll.u32 s2, $0x1  }
0x9: {  	s26 =	simm.s32 $0x0;
	s6 =	sor.u32 s0, s3;
	s3 =	simm.s32 $0x0  }
0xa: {  	s0 =	ssub.s32 $0x2, s0;
	s4 =	smul.u32 $0x320, s6;
	[smem:$0x7FF] =	sst s3  }
0xb: {  	s2 =	rddreg [dreg:$0x1];
	s8 =	sshrl.u32 s0, $0x1;
	_ =	strace $0x80000047  }
0xc: {  	s7 =	sadd.s32 s4, s1;
	s4 =	sadd.s32 $0xF43000, s1;
	s1 =	sadd.s32 $0x7000, s1  }
0xd: {  	s0 =	ssub.s32 s0, s8;
	[dreg:$0x3] =	wrdreg s1;
	s31 =	sadd.s32 $0xC00, s7  }
0xe: {  	s6 =	sshll.u32 s6, $0x5;
	s8 =	smax.u32 s0, $0x1;
	[dreg:$0x4] =	wrdreg s31  }
.LBB2_1:
0xf: {  	s0 =	rddreg [dreg:$0x4]  }
0x10: {  	[tilespmem:s3], [sflag:$0x9] =	stream.linear.gather [hbm4b:s0+s3], $0x1900, $0x38;
	[tilespmem:$0x11300] =	vst v63  }
0x11: {  	_ =	swait.ge [sflag:s9], $0x1900  }
0x12: {  	[sflag:s9] =	ssyncset.done $0x0  }
0x13: {  	s1 =	simm.s32 $0x1900;
	s31 =	rddreg [dreg:$0x3];
	[sflag:s9] =	ssyncadd.s32 $0xFFFFE700  }
0x14: {  	[tilespmem:s1], [sflag:$0x9] =	stream.linear.gather [hbm4b:s31+s3], $0x3200, $0x38;
	[tilespmem:$0x11300] =	vst v63  }
0x15: {  	_ =	swait.ge [sflag:s9], $0x3200  }
0x16: {  	[sflag:s9] =	ssyncset.done $0x0  }
0x17: {  	s28 =	simm.s32 $0x0;
	[sflag:s9] =	ssyncadd.s32 $0xFFFFCE00  }
.LBB2_2:
0x18: {  	p0 =	sne.s32 s28, $0x0  }
0x19: {  	s0 =	simm.s32 @p0 $0x5  }
0x1a: {  	s10 =	smul.u32 @p0 $0xC80, s28;
	_ =	swait.ge @p0 [sflag:s0], $0x3200  }
0x1b: {  	s1 =	sshll.u32 s28, $0x2;
	s29 =	simm.s32 @p0 $0x4B00;
	[sflag:s0] =	ssyncset.done @p0 $0x0  }
0x1c: {  	[sflag:s0] =	ssyncadd.s32 @p0 $0xFFFFCE00;
	s0 =	sshra.s32 @p0 s10, $0x2;
	s10 =	simm.s32 @p0 $0x80  }
0x1d: {  	[tilespmem:s29], [sflag:$0x1] =	stream.indirect.gather @p0 [hbm4b:s4+s10], $0x40, s0, s10, $0xb8;
	[tilespmem:$0x11300] =	vst v63  }
0x1e: {  	s30 =	simm.s32 @p0 $0x6B00;
	s0 =	sadd.s32 @p0 $0x80, s0;
	s29 =	simm.s32 @p0 $0x48  }
0x1f: {  	[tilespmem:s30], [sflag:$0x1] =	stream.indirect.gather @p0 [hbm4b:s4+s29], $0x40, s0, s29, $0xb8;
	[tilespmem:$0x11300] =	vst v63  }
0x20: {  	s31 =	sor.u32 @p0 $0x1, s1;
	s0 =	simm.s32 @p0 $0x6  }
0x21: {  	s30 =	smul.u32 @p0 $0x320, s31;
	_ =	swait.ge @p0 [sflag:s0], $0x3200  }
0x22: {  	[sflag:s0] =	ssyncset.done @p0 $0x0  }
0x23: {  	[sflag:s0] =	ssyncadd.s32 @p0 $0xFFFFCE00;
	s0 =	sshra.s32 @p0 s30, $0x2;
	s30 =	simm.s32 @p0 $0x7D00  }
0x24: {  	[tilespmem:s30], [sflag:$0x2] =	stream.indirect.gather @p0 [hbm4b:s4+s10], $0x40, s0, s10, $0xb8;
	[tilespmem:$0x11300] =	vst v63  }
0x25: {  	s0 =	sadd.s32 @p0 $0x80, s0;
	s30 =	simm.s32 @p0 $0x9D00  }
0x26: {  	[tilespmem:s30], [sflag:$0x2] =	stream.indirect.gather @p0 [hbm4b:s4+s29], $0x40, s0, s29, $0xb8;
	[tilespmem:$0x11300] =	vst v63  }
0x27: {  	s30 =	sor.u32 @p0 $0x2, s1;
	s0 =	simm.s32 @p0 $0x7  }
0x28: {  	_ =	swait.ge @p0 [sflag:s0], $0x3200;
	s5 =	smul.u32 @p0 $0x320, s30  }
0x29: {  	[sflag:s0] =	ssyncset.done @p0 $0x0  }
0x2a: {  	[sflag:s0] =	ssyncadd.s32 @p0 $0xFFFFCE00;
	s0 =	sshra.s32 @p0 s5, $0x2;
	s5 =	simm.s32 @p0 $0xAF00  }
0x2b: {  	[tilespmem:s5], [sflag:$0x3] =	stream.indirect.gather @p0 [hbm4b:s4+s10], $0x40, s0, s10, $0xb8;
	[tilespmem:$0x11300] =	vst v63  }
0x2c: {  	s0 =	sadd.s32 @p0 $0x80, s0;
	s5 =	simm.s32 @p0 $0xCF00  }
0x2d: {  	[tilespmem:s5], [sflag:$0x3] =	stream.indirect.gather @p0 [hbm4b:s4+s29], $0x40, s0, s29, $0xb8;
	[tilespmem:$0x11300] =	vst v63  }
0x2e: {  	s0 =	simm.s32 @p0 $0x8  }
0x2f: {  	s5 =	smul.u32 @!p0 $0xC80, s28;
	_ =	swait.ge @p0 [sflag:s0], $0x3200  }
0x30: {  	s10 =	simm.s32 @!p0 $0x4B00;
	[sflag:s0] =	ssyncset.done @p0 $0x0  }
0x31: {  	[sflag:s0] =	ssyncadd.s32 @p0 $0xFFFFCE00;
	s0 =	sshra.s32 @!p0 s5, $0x2;
	s5 =	simm.s32 @!p0 $0x80  }
0x32: {  	[tilespmem:s10], [sflag:$0x1] =	stream.indirect.gather @!p0 [hbm4b:s4+s5], $0x40, s0, s5, $0xb8;
	[tilespmem:$0x11300] =	vst v63  }
0x33: {  	s29 =	simm.s32 @!p0 $0x6B00;
	s0 =	sadd.s32 @!p0 $0x80, s0;
	s10 =	simm.s32 @!p0 $0x48  }
0x34: {  	[tilespmem:s29], [sflag:$0x1] =	stream.indirect.gather @!p0 [hbm4b:s4+s10], $0x40, s0, s10, $0xb8;
	[tilespmem:$0x11300] =	vst v63  }
0x35: {  	s0 =	simm.s32 @!p0 $0xC8;
	s29 =	simm.s32 @!p0 $0x7D00  }
0x36: {  	[tilespmem:s29], [sflag:$0x2] =	stream.indirect.gather @!p0 [hbm4b:s4+s5], $0x40, s0, s5, $0xb8;
	[tilespmem:$0x11300] =	vst v63  }
0x37: {  	s0 =	simm.s32 @!p0 $0x148;
	s29 =	simm.s32 @!p0 $0x9D00  }
0x38: {  	[tilespmem:s29], [sflag:$0x2] =	stream.indirect.gather @!p0 [hbm4b:s4+s10], $0x40, s0, s10, $0xb8;
	[tilespmem:$0x11300] =	vst v63  }
0x39: {  	s29 =	sor.u32 @p0 $0x3, s1  }
0x3a: {  	s7 =	simm.s32 @!p0 $0xAF00;
	s0 =	simm.s32 @!p0 $0x190;
	s29 =	simm.s32 @!p0 $0x3  }
0x3b: {  	[tilespmem:s7], [sflag:$0x3] =	stream.indirect.gather @!p0 [hbm4b:s4+s5], $0x40, s0, s5, $0xb8;
	[tilespmem:$0x11300] =	vst v63  }
0x3c: {  	s0 =	simm.s32 @!p0 $0x210;
	s5 =	simm.s32 @!p0 $0xCF00;
	s7 =	smul.u32 $0x320, s29  }
0x3d: {  	[tilespmem:s5], [sflag:$0x3] =	stream.indirect.gather @!p0 [hbm4b:s4+s10], $0x40, s0, s10, $0xb8;
	[tilespmem:$0x11300] =	vst v63  }
0x3e: {  	s10 =	sshra.s32 s7, $0x2  }
0x3f: {  	[tilespmem:s12], [sflag:$0x4] =	stream.indirect.gather [hbm4b:s4+s11], $0x40, s10, s11, $0xb8;
	[tilespmem:$0x11300] =	vst v63  }
0x40: {  	s0 =	sadd.s32 $0x80, s10  }
0x41: {  	[tilespmem:s14], [sflag:$0x4] =	stream.indirect.gather [hbm4b:s4+s13], $0x40, s0, s13, $0xb8;
	[tilespmem:$0x11300] =	vst v63  }
0x42: {  	_ =	swait.ge [sflag:s15], $0x2000  }
0x43: {  	[sflag:s15] =	ssyncset.done $0x0  }
0x44: {  	[sflag:s15] =	ssyncadd.s32 $0xFFFFE000  }
0x45: {  	_ =	swait.ge [sflag:s15], $0x1200  }
0x46: {  	[sflag:s15] =	ssyncset.done $0x0  }
0x47: {  	s0 =	simm.s32 $0x0;
	[sflag:s15] =	ssyncadd.s32 $0xFFFFEE00  }
0x48: {  	v4 =	vld [tilespmem:s0+$0x1900]  }
0x49: {  	v6 =	vld [tilespmem:s0+$0x1910]  }
0x4a: {  	v1 =	vld [tilespmem:s0+$0x1920]  }
0x4b: {  	v0 =	vld [tilespmem:s0+$0x1930]  }
0x4c: {  	v2 =	vld [tilespmem:s0+$0x4B00]  }
0x4d: {  	v3 =	vld [tilespmem:s0+$0x4B10]  }
0x4e: {  	s31 =	simm.s32 @!p0 $0x1;
	s30 =	simm.s32 @!p0 $0x2;
	s10 =	simm.s32 $0x100;
	v5 =	vld [tilespmem:s0+$0x4B20]  }
.LBB2_3:
0x4f: {  	s5 =	sshra.s32 s10, $0x2;
	p0 =	sne.s32 s10, $0xC700;
	v7 =	vld [tilespmem:s0+$0x4B30];
	v8 =	vmov v1  }
0x50: {  	v9 =	vld [tilespmem:s5+$0x1900];
	v10 =	vmov v0  }
0x51: {  	v11 =	vld [tilespmem:s5+$0x1910];
	v2 =	vadd.f32 v4, v2  }
.Ltmp0:
0x52: {  	v1 =	vld [tilespmem:s5+$0x1920];
	v3 =	vadd.f32 v6, v3;
	(pc) =	sbr.rel @p0 .LBB2_3-.Ltmp0, $4  }
0x53: {  	v0 =	vld [tilespmem:s5+$0x1930];
	[tilespmem:s0+$0x4B00] =	vst v2;
	v5 =	vadd.f32 v8, v5  }
0x54: {  	v2 =	vld [tilespmem:s5+$0x4B00];
	[tilespmem:s0+$0x4B10] =	vst v3;
	v7 =	vadd.f32 v10, v7  }
0x55: {  	v3 =	vld [tilespmem:s5+$0x4B10];
	[tilespmem:s0+$0x4B20] =	vst v5;
	v4 =	vmov v9  }
0x56: {  	s10 =	sadd.s32 $0x100, s10;
	v5 =	vld [tilespmem:s5+$0x4B20];
	[tilespmem:s0+$0x4B30] =	vst v7;
	v6 =	vmov v11;
	s0 =	smov.u32 s5  }
0x57: {  	v7 =	vld [tilespmem:s0+$0x4B30];
	_ =	sdelay $0x1  }
0x58: {  	v2 =	vadd.f32 v4, v2  }
0x59: {  	v3 =	vadd.f32 v6, v3  }
0x5a: {  	s1 =	sadd.s32 s6, s1;
	[tilespmem:s0+$0x4B00] =	vst v2;
	v1 =	vadd.f32 v1, v5  }
0x5b: {  	s1 =	smul.u32 $0x640, s1;
	[tilespmem:s0+$0x4B10] =	vst v3;
	v0 =	vadd.f32 v0, v7  }
0x5c: {  	[tilespmem:s0+$0x4B20] =	vst v1  }
0x5d: {  	s10 =	simm.s32 $0x0;
	s7 =	sadd.s32 s2, s1;
	[tilespmem:s0+$0x4B30] =	vst v0  }
0x5e: {  	[hbm4b:s7+s10] =	stream.linear.scatter [tilespmem:s16], [sflag:$0x5], $0x3200, $0x38;
	[tilespmem:$0x11300] =	vst v63  }
0x5f: {  	_ =	swait.ge [sflag:s17], $0x2000  }
0x60: {  	[sflag:s17] =	ssyncset.done $0x0  }
0x61: {  	[sflag:s17] =	ssyncadd.s32 $0xFFFFE000  }
0x62: {  	_ =	swait.ge [sflag:s17], $0x1200  }
0x63: {  	[sflag:s17] =	ssyncset.done $0x0  }
0x64: {  	s0 =	simm.s32 $0x0;
	[sflag:s17] =	ssyncadd.s32 $0xFFFFEE00  }
0x65: {  	v5 =	vld [tilespmem:s0+$0x1900]  }
0x66: {  	v6 =	vld [tilespmem:s0+$0x1910]  }
0x67: {  	v1 =	vld [tilespmem:s0+$0x1920]  }
0x68: {  	v0 =	vld [tilespmem:s0+$0x1930]  }
0x69: {  	v2 =	vld [tilespmem:s0+$0x7D00]  }
0x6a: {  	v4 =	vld [tilespmem:s0+$0x7D10]  }
0x6b: {  	s1 =	simm.s32 $0x100;
	v3 =	vld [tilespmem:s0+$0x7D20]  }
.LBB2_5:
0x6c: {  	s5 =	sshra.s32 s1, $0x2;
	p0 =	sne.s32 s1, $0xC700;
	v7 =	vld [tilespmem:s0+$0x7D30];
	v8 =	vmov v1  }
0x6d: {  	v9 =	vld [tilespmem:s5+$0x1900];
	v10 =	vmov v0  }
0x6e: {  	v11 =	vld [tilespmem:s5+$0x1910];
	v2 =	vadd.f32 v5, v2  }
.Ltmp1:
0x6f: {  	v1 =	vld [tilespmem:s5+$0x1920];
	v4 =	vadd.f32 v6, v4;
	(pc) =	sbr.rel @p0 .LBB2_5-.Ltmp1, $4  }
0x70: {  	v0 =	vld [tilespmem:s5+$0x1930];
	[tilespmem:s0+$0x7D00] =	vst v2;
	v3 =	vadd.f32 v8, v3  }
0x71: {  	v2 =	vld [tilespmem:s5+$0x7D00];
	[tilespmem:s0+$0x7D10] =	vst v4;
	v7 =	vadd.f32 v10, v7  }
0x72: {  	v4 =	vld [tilespmem:s5+$0x7D10];
	[tilespmem:s0+$0x7D20] =	vst v3;
	v5 =	vmov v9  }
0x73: {  	s1 =	sadd.s32 $0x100, s1;
	v3 =	vld [tilespmem:s5+$0x7D20];
	[tilespmem:s0+$0x7D30] =	vst v7;
	v6 =	vmov v11;
	s0 =	smov.u32 s5  }
0x74: {  	v7 =	vld [tilespmem:s0+$0x7D30];
	_ =	sdelay $0x1  }
0x75: {  	v2 =	vadd.f32 v5, v2  }
0x76: {  	v4 =	vadd.f32 v6, v4  }
0x77: {  	s1 =	sadd.s32 s6, s31;
	[tilespmem:s0+$0x7D00] =	vst v2;
	v1 =	vadd.f32 v1, v3  }
0x78: {  	s1 =	smul.u32 $0x640, s1;
	[tilespmem:s0+$0x7D10] =	vst v4;
	v0 =	vadd.f32 v0, v7  }
0x79: {  	[tilespmem:s0+$0x7D20] =	vst v1  }
0x7a: {  	s31 =	simm.s32 $0x0;
	s10 =	sadd.s32 s2, s1;
	[tilespmem:s0+$0x7D30] =	vst v0  }
0x7b: {  	[hbm4b:s10+s31] =	stream.linear.scatter [tilespmem:s18], [sflag:$0x6], $0x3200, $0x38;
	[tilespmem:$0x11300] =	vst v63  }
0x7c: {  	_ =	swait.ge [sflag:s19], $0x2000  }
0x7d: {  	[sflag:s19] =	ssyncset.done $0x0  }
0x7e: {  	[sflag:s19] =	ssyncadd.s32 $0xFFFFE000  }
0x7f: {  	_ =	swait.ge [sflag:s19], $0x1200  }
0x80: {  	[sflag:s19] =	ssyncset.done $0x0  }
0x81: {  	s0 =	simm.s32 $0x0;
	[sflag:s19] =	ssyncadd.s32 $0xFFFFEE00  }
0x82: {  	v5 =	vld [tilespmem:s0+$0x1900]  }
0x83: {  	v6 =	vld [tilespmem:s0+$0x1910]  }
0x84: {  	v1 =	vld [tilespmem:s0+$0x1920]  }
0x85: {  	v0 =	vld [tilespmem:s0+$0x1930]  }
0x86: {  	v2 =	vld [tilespmem:s0+$0xAF00]  }
0x87: {  	v4 =	vld [tilespmem:s0+$0xAF10]  }
0x88: {  	s1 =	simm.s32 $0x100;
	v3 =	vld [tilespmem:s0+$0xAF20]  }
.LBB2_7:
0x89: {  	s5 =	sshra.s32 s1, $0x2;
	p0 =	sne.s32 s1, $0xC700;
	v7 =	vld [tilespmem:s0+$0xAF30];
	v8 =	vmov v1  }
0x8a: {  	v9 =	vld [tilespmem:s5+$0x1900];
	v10 =	vmov v0  }
0x8b: {  	v11 =	vld [tilespmem:s5+$0x1910];
	v2 =	vadd.f32 v5, v2  }
.Ltmp2:
0x8c: {  	v1 =	vld [tilespmem:s5+$0x1920];
	v4 =	vadd.f32 v6, v4;
	(pc) =	sbr.rel @p0 .LBB2_7-.Ltmp2, $4  }
0x8d: {  	v0 =	vld [tilespmem:s5+$0x1930];
	[tilespmem:s0+$0xAF00] =	vst v2;
	v3 =	vadd.f32 v8, v3  }
0x8e: {  	v2 =	vld [tilespmem:s5+$0xAF00];
	[tilespmem:s0+$0xAF10] =	vst v4;
	v7 =	vadd.f32 v10, v7  }
0x8f: {  	v4 =	vld [tilespmem:s5+$0xAF10];
	[tilespmem:s0+$0xAF20] =	vst v3;
	v5 =	vmov v9  }
0x90: {  	s1 =	sadd.s32 $0x100, s1;
	v3 =	vld [tilespmem:s5+$0xAF20];
	[tilespmem:s0+$0xAF30] =	vst v7;
	v6 =	vmov v11;
	s0 =	smov.u32 s5  }
0x91: {  	v7 =	vld [tilespmem:s0+$0xAF30];
	_ =	sdelay $0x1  }
0x92: {  	v2 =	vadd.f32 v5, v2  }
0x93: {  	v4 =	vadd.f32 v6, v4  }
0x94: {  	s1 =	sadd.s32 s6, s30;
	[tilespmem:s0+$0xAF00] =	vst v2;
	v1 =	vadd.f32 v1, v3  }
0x95: {  	s1 =	smul.u32 $0x640, s1;
	[tilespmem:s0+$0xAF10] =	vst v4;
	v0 =	vadd.f32 v0, v7  }
0x96: {  	[tilespmem:s0+$0xAF20] =	vst v1  }
0x97: {  	s31 =	simm.s32 $0x0;
	s30 =	sadd.s32 s2, s1;
	[tilespmem:s0+$0xAF30] =	vst v0  }
0x98: {  	[hbm4b:s30+s31] =	stream.linear.scatter [tilespmem:s20], [sflag:$0x7], $0x3200, $0x38;
	[tilespmem:$0x11300] =	vst v63  }
0x99: {  	_ =	swait.ge [sflag:s21], $0x2000  }
0x9a: {  	[sflag:s21] =	ssyncset.done $0x0  }
0x9b: {  	[sflag:s21] =	ssyncadd.s32 $0xFFFFE000  }
0x9c: {  	_ =	swait.ge [sflag:s21], $0x1200  }
0x9d: {  	[sflag:s21] =	ssyncset.done $0x0  }
0x9e: {  	s0 =	simm.s32 $0x0;
	[sflag:s21] =	ssyncadd.s32 $0xFFFFEE00  }
0x9f: {  	v5 =	vld [tilespmem:s0+$0x1900]  }
0xa0: {  	v6 =	vld [tilespmem:s0+$0x1910]  }
0xa1: {  	v1 =	vld [tilespmem:s0+$0x1920]  }
0xa2: {  	v0 =	vld [tilespmem:s0+$0x1930]  }
0xa3: {  	v2 =	vld [tilespmem:s0+$0xE100]  }
0xa4: {  	v4 =	vld [tilespmem:s0+$0xE110]  }
0xa5: {  	s1 =	simm.s32 $0x100;
	v3 =	vld [tilespmem:s0+$0xE120]  }
.LBB2_9:
0xa6: {  	s5 =	sshra.s32 s1, $0x2;
	p0 =	sne.s32 s1, $0xC700;
	v7 =	vld [tilespmem:s0+$0xE130];
	v8 =	vmov v1  }
0xa7: {  	v9 =	vld [tilespmem:s5+$0x1900];
	v10 =	vmov v0  }
0xa8: {  	v11 =	vld [tilespmem:s5+$0x1910];
	v2 =	vadd.f32 v5, v2  }
.Ltmp3:
0xa9: {  	v1 =	vld [tilespmem:s5+$0x1920];
	v4 =	vadd.f32 v6, v4;
	(pc) =	sbr.rel @p0 .LBB2_9-.Ltmp3, $4  }
0xaa: {  	v0 =	vld [tilespmem:s5+$0x1930];
	[tilespmem:s0+$0xE100] =	vst v2;
	v3 =	vadd.f32 v8, v3  }
0xab: {  	v2 =	vld [tilespmem:s5+$0xE100];
	[tilespmem:s0+$0xE110] =	vst v4;
	v7 =	vadd.f32 v10, v7  }
0xac: {  	v4 =	vld [tilespmem:s5+$0xE110];
	[tilespmem:s0+$0xE120] =	vst v3;
	v5 =	vmov v9  }
0xad: {  	s1 =	sadd.s32 $0x100, s1;
	v3 =	vld [tilespmem:s5+$0xE120];
	[tilespmem:s0+$0xE130] =	vst v7;
	v6 =	vmov v11;
	s0 =	smov.u32 s5  }
0xae: {  	v7 =	vld [tilespmem:s0+$0xE130];
	_ =	sdelay $0x1  }
0xaf: {  	s28 =	sadd.s32 $0x1, s28;
	v2 =	vadd.f32 v5, v2  }
0xb0: {  	p0 =	sne.s32 s28, $0x8;
	v4 =	vadd.f32 v6, v4  }
.Ltmp4:
0xb1: {  	s1 =	sadd.s32 s6, s29;
	[tilespmem:s0+$0xE100] =	vst v2;
	v1 =	vadd.f32 v1, v3;
	(pc) =	sbr.rel @p0 .LBB2_2-.Ltmp4, $4  }
0xb2: {  	s1 =	smul.u32 $0x640, s1;
	[tilespmem:s0+$0xE110] =	vst v4;
	v0 =	vadd.f32 v0, v7  }
0xb3: {  	[tilespmem:s0+$0xE120] =	vst v1  }
0xb4: {  	s31 =	sadd.s32 s2, s1;
	[tilespmem:s0+$0xE130] =	vst v0  }
0xb5: {  	[hbm4b:s31+s3] =	stream.linear.scatter [tilespmem:s12], [sflag:$0x8], $0x3200, $0x38;
	[tilespmem:$0x11300] =	vst v63  }
0xb6: {  	_ =	swait.ge [sflag:s22], $0x3200  }
0xb7: {  	[sflag:s22] =	ssyncset.done $0x0  }
0xb8: {  	[sflag:s22] =	ssyncadd.s32 $0xFFFFCE00  }
0xb9: {  	_ =	swait.ge [sflag:s23], $0x3200  }
0xba: {  	[sflag:s23] =	ssyncset.done $0x0  }
0xbb: {  	s26 =	sadd.s32 $0x1, s26;
	[sflag:s23] =	ssyncadd.s32 $0xFFFFCE00  }
0xbc: {  	p0 =	sne.s32 s26, s8;
	_ =	swait.ge [sflag:s24], $0x3200  }
.Ltmp5:
0xbd: {  	[sflag:s24] =	ssyncset.done $0x0;
	(pc) =	sbr.rel @p0 .LBB2_1-.Ltmp5, $4  }
0xbe: {  	[sflag:s24] =	ssyncadd.s32 $0xFFFFCE00  }
0xbf: {  	_ =	swait.ge [sflag:s25], $0x3200  }
0xc0: {  	[sflag:s25] =	ssyncset.done $0x0  }
0xc1: {  	[sflag:s25] =	ssyncadd.s32 $0xFFFFCE00  }
0xc2: {  	_ =	sfence.sel $0x180000  }
0xc3: {  	[bflag:$0x0] =	sbarrier.arrive $0xFFFF  }
0xc4: {  	_ =	strace $0x90000047  }
0xc5: {  	s0 =	stileid.u32;
	[bflag:$0x2] =	sbarrier.arrive $0xFFFF  }
0xc6: {  	p0 =	sne.s32 s0, $0x0;
	s0 =	rddreg [dreg:$0x2]  }
0xc7: {  	s0 =	sadd.s32 @!p0 $0x100000, s0  }
0xc8: {  	[sflag:s0] =	ssyncadd.tile.s32 @!p0 $0x1;
	_ =	shalt  }
.Lfunc_end2:
_tile_overlayer_lowered:
.L_overlay_start_2:
0xc9: {  	(tag) =	ssettag $0x2  }
0xca: {  	s0 =	rddreg [dreg:$0x0];
	s2 =	stileid.u32  }
0xcb: {  	s1 =	rddreg [dreg:$0x1];
	p0 =	sne.s32 s2, $0x0  }
0xcc: {  	s3 =	rddreg [dreg:$0x2];
	[bflag:$0x3] =	sbarrier.arrive $0xFFFF;
	s2 =	simm.s32 @!p0 $0x1C09  }
0xcd: {  	[timem:s3], [sflag:s2] =	dma.local @!p0 [hbm:s0], s1  }
0xce: {  	s0 =	simm.s32 @!p0 $0x9  }
0xcf: {  	_ =	swait.ge @!p0 [sflag:s0], s1  }
0xd0: {  	s1 =	ssub.s32 @!p0 $0x0, s1;
	[sflag:s0] =	ssyncset.done @!p0 $0x0  }
0xd1: {  	[sflag:s0] =	ssyncadd.s32 @!p0 s1  }
0xd2: {  	[bflag:$0x3] =	sbarrier.arrive $0xFFFF  }
0xd3: {  	_ =	shalt  }

// kernel: sparse-core-data-format-call.cloned.1.call-start
scs
called_computation_lowered:
.L_overlay_start_0:
0x0: {  	s2 =	sld [smem:$0x3FD9]  }
0x1: {  	s3 =	sld [smem:$0x3FFE];
	_ =	sdelay $0x1  }
0x2: {  	s1 =	srdreg.scid  }
0x3: {  	s0 =	sand.u32 $0x1, s1  }
0x4: {  	s18 =	sshll.u32 s0, $0xA;
	s2 =	sadd.s32 s3, s2  }
0x5: {  	s2 =	sadd.s32 s2, s18  }
0x6: {  	[smem:$0x3FC6] =	sst s2  }
0x7: {  	_ = 	snop  }
0x8: {  	s2 =	sld [smem:$0x3FD0];
	(tm) =	ssettm $0x1  }
0x9: {  	s19 =	sld [smem:$0x3FFB];
	_ =	sdelay $0x3  }
0xa: {  	_ =	strace s19  }
0xb: {  	s3 =	sld [smem:$0x3FFC];
	_ =	sdelay $0x3  }
0xc: {  	_ =	strace s3  }
0xd: {  	s3 =	sld [smem:$0x3FFD];
	_ =	sdelay $0x3  }
0xe: {  	_ =	strace s3  }
0xf: {  	_ =	strace $0x8FFFFFFF  }
0x10: {  	s20 =	sld [smem:$0x3FDB];
	_ =	sdelay $0x1  }
0x11: {  	s4 =	simm.s32 $_scs_section_size  }
0x12: {  	s5 =	simm.s32 $_size__tile_overlayer_lowered;
	s6 =	simm.s32 $_tile_overlayer_lowered  }
0x13: {  	s23 =	simm.s32 $0x1BFF;
	s22 =	sshll.u32 s6, $0x1;
	s3 =	sadd.s32 s4, s20  }
0x14: {  	s7 =	simm.s32 $0x0;
	s21 =	sshll.u32 s5, $0x1;
	s5 =	sadd.s32 s22, s3  }
0x15: {  	[timem:s7], [sflag:s23] =	dma.local [hbm:s5], s21  }
0x16: {  	_ =	swait.ge [sflag:s23], s21  }
0x17: {  	s4 =	ssub.s32 $0x0, s21;
	[sflag:s23] =	ssyncset.done $0x0  }
0x18: {  	[sflag:s23] =	ssyncadd.s32 s4;
	_ =	sdelay $0x1  }
0x19: {  	s24 =	simm.s32 $0x1B8B  }
0x1a: {  	_ =	swait.ge [sflag:s24], $0x1  }
0x1b: {  	[sflag:s24] =	ssyncset.done $0x0  }
0x1c: {  	s26 =	simm.s32 $0x1B8E;
	s25 =	sld [smem:$0x3FFE];
	[sflag:s24] =	ssyncadd.s32 $0xFFFFFFFF  }
0x1d: {  	s27 =	simm.s32 $execute0_lowered;
	[smem:$0x3FD2] =	sst s26  }
0x1e: {  	s5 =	sshll.u32 s27, $0x1;
	_ =	strace $0x80000049;
	[dreg:$0x1] =	wrdreg $0xFFFFFFFF  }
0x1f: {  	s28 =	simm.s32 $_size_execute0_lowered;
	s3 =	sadd.s32 s3, s5;
	[dreg:$0x0] =	wrdreg $0x0  }
0x20: {  	s5 =	sshll.u32 s28, $0x1;
	[dreg:$0x2] =	wrdreg s3  }
0x21: {  	[dreg:$0x3] =	wrdreg s5  }
0x22: {  	[dreg:$0x4] =	wrdreg $0xC0  }
0x23: {  	_ =	task [dreg:s7], $0x5FFFF  }
0x24: {  	[dreg:$0x1] =	wrdreg $0xFFFFFFFF  }
0x25: {  	[dreg:$0x0] =	wrdreg $0x60  }
0x26: {  	[dreg:$0x2] =	wrdreg s25  }
0x27: {  	[dreg:$0x3] =	wrdreg s2  }
0x28: {  	[dreg:$0x4] =	wrdreg $0x9  }
0x29: {  	_ =	task.clear_ibuf [dreg:s7], $0x5FFFF;
	_ =	strace $0x90000049  }
0x2a: {  	s29 =	simm.s32 $0x9;
	_ =	strace $0x8000004B  }
0x2b: {  	_ =	swait.ge [sflag:s29], $0x1  }
0x2c: {  	[sflag:s29] =	ssyncadd.s32 $0xFFFFFFFF  }
0x2d: {  	_ =	strace $0x9000004B  }
0x2e: {  	_ =	sfence  }
0x2f: {  	s30 =	sld [smem:$0x0];
	_ =	sdelay $0x2  }
0x30: {  	s31 =	sshll.u32 s1, $0xD;
	s1 =	sshrl.u32 s1, $0x2  }
0x31: {  	s3 =	sand.u32 $0x4000, s31;
	s1 =	sadd.s32 s1, s30  }
0x32: {  	s0 =	sor.u32 s3, s0;
	s1 =	sshll.u32 s1, $0x11  }
0x33: {  	s0 =	sor.u32 s1, s0  }
0x34: {  	s0 =	sadd.s32 $0x8F2B, s0  }
0x35: {  	[sflag:s0] =	ssyncadd.remote.s32 $0x1  }
0x36: {  	_ =	sfence.sel $0xFFFF  }
0x37: {  	[dreg:$0x0] =	wrdreg $0xFFFFFFFF;
	(pc) =	sbr.abs _section_cstart, $3  }
0x38: {  	[dreg:$0x1] =	wrdreg $0xFFFFFFFF  }
0x39: {  	_ =	task.clear_ibuf [dreg:s7], $0x2FFFF;
	_ =	strace $0x9FFFFFFF  }
0x3a: {  	(tm) =	ssettm $0x7FFFFFFF  }
0x3b: {  	_ =	shalt  }
tec
execute0_lowered:
.L_overlay_start_1:
0x0: {  	(tag) =	ssettag $0x1  }
0x1: {  	s0 =	stileid.u32;
	s6 =	rddreg [dreg:$0x0]  }
0x2: {  	s2 =	rddreg [dreg:$0x1];
	s5 =	srdreg.scid  }
0x3: {  	s31 =	simm.s32 $0x2;
	s13 =	simm.s32 $0x0;
	s1 =	sshll.u32 s0, $0x7  }
0x4: {  	s14 =	simm.s32 $0x0;
	s12 =	simm.s32 $0x0;
	s3 =	sand.u32 $0x380, s1  }
0x5: {  	s5 =	sshll.u32 s5, $0x4;
	s6 =	sadd.s32 $0xC00, s6;
	s4 =	ssub.s32 $0x400, s3  }
0x6: {  	s1 =	rddreg [dreg:$0x2];
	_ =	strace $0x8000004A;
	s7 =	sand.u32 $0x380, s4  }
0x7: {  	s5 =	sand.u32 $0x10, s5;
	p0 =	sne.s32 s7, $0x0;
	s7 =	simm.s32 $0x1  }
.Ltmp0:
0x8: {  	s8 =	sshrl.u32 s4, $0xA;
	s7 =	simm.s32 @!p0 $0x0;
	(pc) =	sbr.rel .LBB1_1-.Ltmp0, $4  }
0x9: {  	s9 =	sor.u32 s0, s5;
	s4 =	simm.s32 $0x1;
	s30 =	sadd.s32 s7, s8  }
0xa: {  	s11 =	smov.u32 s3;
	[sflag:s4] =	ssyncpa.u1 $0x0;
	s5 =	smul.u32 $0x32, s30  }
0xb: {  	[sflag:s31] =	ssyncpa.u1 $0x0;
	p0 =	por $0x0, $0x0;
	s7 =	sshrl.u32 s9, $0x3  }
0xc: {  	s9 =	simm.s32 $0x2000;
	s10 =	smov.u32 s7;
	s8 =	sor.u32 $0x1, s5  }
.LBB1_4:
0xd: {  	s17 =	sand.u32 $0x1F80, s14;
	s13 =	sshll.u32 s13, $0xD  }
0xe: {  	[tilespmem:s16+$0x810 ss:$0x81] =	vst.msk $0xffff, v2;
	s18 =	sshrl.u32 s14, $0x3;
	s31 =	sand.u32 $0x7, s14;
	s17 =	sadd.s32 s2, s17  }
0xf: {  	[tilespmem:s16+$0x1020 ss:$0x81] =	vst.msk $0xffff, v0;
	s18 =	sand.u32 $0xF, s18;
	s14 =	sshll.u32 s31, $0x12;
	s13 =	sadd.s32 s13, s17  }
0x10: {  	[tilespmem:s16+$0x0 ss:$0x81] =	vst.msk $0xffff, v1;
	s14 =	sor.u32 $0x400, s14;
	s13 =	sadd.s32 s18, s13  }
0x11: {  	[hbm4b:s13+s14] =	stream.strided.scatter [tilespmem:s15], [sflag:$0x2], $0x2000, s9, s14, $0x20;
	[tilespmem:$0x8080] =	vst v63  }
.LBB1_5:
0x12: {  	s15 =	sadd.s32 $0x4, s10  }
0x13: {  	s13 =	sadd.s32 $0x400, s11;
	s17 =	smov.u32 s11;
	p2 =	sgt.s32 s15, $0xC7  }
0x14: {  	s17 =	smov.u32 @p2 s13  }
0x15: {  	s15 =	smov.u32 @p2 s7;
	p2 =	sgt.s32 s17, $0x3FF  }
0x16: {  	s17 =	smov.u32 @p2 s3;
	p2 =	sne.s32 s12, s8  }
.Ltmp1:
0x17: {  	p1 =	slt.u32 s12, $0x2;
	(pc) =	sbr.rel @!p2 .LBB1_6-.Ltmp1, $4  }
0x18: {  	s16 =	simm.s32 @!p1 $0x2  }
0x19: {  	s14 =	smov.u32 s11;
	p0 =	por !p0, !p0;
	_ =	swait.ge @!p1 [sflag:s16], $0x2000  }
0x1a: {  	s13 =	smov.u32 s10;
	[sflag:s16] =	ssyncset.done @!p1 $0x0;
	s10 =	smov.u32 s15  }
0x1b: {  	s12 =	sadd.s32 $0x1, s12;
	[sflag:s16] =	ssyncadd.s32 @!p1 $0xFFFFE000;
	s11 =	smov.u32 s17  }
.LBB1_1:
0x1c: {  	p1 =	sge.u32 s12, s5  }
0x1d: {  	s15 =	sand.u32 @!p1 $0x1FFFFFF, s10  }
0x1e: {  	s16 =	smulhi.u32 @!p1 $0x147AE15, s15;
	_ =	sdelay $0x1  }
0x1f: {  	s16 =	smul.u32 @!p1 $0xC8, s16  }
0x20: {  	s17 =	sxor.u32 @!p1 $0xFFFFFFFF, s12;
	s18 =	smul.u32 @!p1 $0xC80, s11  }
0x21: {  	s31 =	sadd.s32 $0xFFFFFFFF, s12;
	s17 =	sshll.u32 @!p1 s17, $0xD;
	s15 =	ssub.s32 @!p1 s15, s16  }
0x22: {  	s16 =	sand.u32 @!p1 $0x2000, s17;
	s17 =	sadd.s32 @!p1 s6, s18;
	s15 =	sshll.u32 @!p1 s15, $0x4  }
0x23: {  	s18 =	simm.s32 @!p1 $0x6400;
	s15 =	sadd.s32 @!p1 s15, s17;
	s17 =	simm.s32 @!p1 $0x40  }
0x24: {  	[tilespmem:s16], [sflag:$0x1] =	stream.strided.gather @!p1 [hbm4b:s15+s17], $0x2000, s18, s17, $0x38;
	[tilespmem:$0x8080] =	vst v63  }
0x25: {  	p1 =	sge.u32 s31, s5  }
.Ltmp2:
0x26: {  	_ = 	snop;
	(pc) =	sbr.rel @p1 .LBB1_5-.Ltmp2, $1  }
0x27: {  	_ =	sdelay $0x3  }
0x28: {  	s15 =	simm.s32 $0x1  }
0x29: {  	_ =	swait.ge [sflag:s4], $0x2000;
	s15 =	simm.s32 @!p0 $0x0  }
0x2a: {  	[sflag:s4] =	ssyncset.done $0x0;
	s16 =	sshll.u32 s15, $0xD  }
0x2b: {  	[sflag:s4] =	ssyncadd.s32 $0xFFFFE000;
	s19 =	sor.u32 $0x20, s16  }
0x2c: {  	s15 =	smul.u32 $0x8100, s15;
	v3 =	vld [tilespmem:s19+$0x10]  }
0x2d: {  	s30 =	sand.u32 $0x1, s12;
	v2 =	vld [tilespmem:s19+$0xFFFFFFF0]  }
0x2e: {  	s16 =	smul.u32 $0x8100, s30;
	s15 =	sshrl.u32 s15, $0x2;
	v0 =	vld [tilespmem:s19+$0x0]  }
0x2f: {  	v1 =	vld [tilespmem:s19+$0xFFFFFFE0];
	s17 =	sor.u32 $0x4000, s15  }
0x30: {  	s31 =	sshrl.u32 s16, $0x2;
	s16 =	sadd.s32 $0x0, s17  }
0x31: {  	s18 =	simm.s32 $0x4;
	s19 =	sadd.s32 $0x40, s19;
	s15 =	sor.u32 $0x4000, s31;
	[tilespmem:s16+$0x1830 ss:$0x81] =	vst.msk $0xffff, v3  }
.LBB1_3:
0x32: {  	v3 =	vld [tilespmem:s19+$0x10];
	p1 =	sne.s32 s18, $0x1FC;
	[tilespmem:s16+$0x810 ss:$0x81] =	vst.msk $0xffff, v2;
	s20 =	smov.u32 s18;
	s18 =	sadd.s32 $0x4, s18  }
.Ltmp3:
0x33: {  	v2 =	vld [tilespmem:s19+$0xFFFFFFF0];
	[tilespmem:s16+$0x1020 ss:$0x81] =	vst.msk $0xffff, v0;
	(pc) =	sbr.rel @p1 .LBB1_3-.Ltmp3, $4  }
0x34: {  	v0 =	vld [tilespmem:s19+$0x0];
	[tilespmem:s16+$0x0 ss:$0x81] =	vst.msk $0xffff, v1  }
0x35: {  	s16 =	sshra.s32 s20, $0x2;
	v1 =	vld [tilespmem:s19+$0xFFFFFFE0]  }
0x36: {  	s16 =	sadd.s32 s16, s17  }
0x37: {  	s19 =	sadd.s32 $0x40, s19;
	[tilespmem:s16+$0x1830 ss:$0x81] =	vst.msk $0xffff, v3  }
.Ltmp4:
0x38: {  	_ = 	snop;
	(pc) =	sbr.rel .LBB1_4-.Ltmp4, $1  }
0x39: {  	_ =	sdelay $0x3  }
.LBB1_6:
0x3a: {  	_ =	sfence.sel $0x180000  }
0x3b: {  	s2 =	simm.s32 $0x1;
	[bflag:$0x0] =	sbarrier.arrive $0xFFFF  }
0x3c: {  	s31 =	simm.s32 $0x2;
	[sflag:s2] =	ssyncpa.u1 $0x1  }
0x3d: {  	[sflag:s31] =	ssyncpa.u1 $0x1  }
0x3e: {  	p0 =	sne.s32 s0, $0x0;
	_ =	strace $0x9000004A  }
0x3f: {  	s0 =	sadd.s32 @!p0 $0x100000, s1;
	[bflag:$0x2] =	sbarrier.arrive $0xFFFF  }
0x40: {  	[sflag:s0] =	ssyncadd.tile.s32 @!p0 $0x1;
	_ =	shalt  }
.Lfunc_end1:
_tile_overlayer_lowered:
.L_overlay_start_2:
0x41: {  	(tag) =	ssettag $0x2  }
0x42: {  	s0 =	rddreg [dreg:$0x0];
	s2 =	stileid.u32  }
0x43: {  	s1 =	rddreg [dreg:$0x1];
	p0 =	sne.s32 s2, $0x0  }
0x44: {  	s3 =	rddreg [dreg:$0x2];
	[bflag:$0x3] =	sbarrier.arrive $0xFFFF;
	s2 =	simm.s32 @!p0 $0x1C01  }
0x45: {  	[timem:s3], [sflag:s2] =	dma.local @!p0 [hbm:s0], s1  }
0x46: {  	s0 =	simm.s32 @!p0 $0x1  }
0x47: {  	_ =	swait.ge @!p0 [sflag:s0], s1  }
0x48: {  	s1 =	ssub.s32 @!p0 $0x0, s1;
	[sflag:s0] =	ssyncset.done @!p0 $0x0  }
0x49: {  	[sflag:s0] =	ssyncadd.s32 @!p0 s1  }
0x4a: {  	[bflag:$0x3] =	sbarrier.arrive $0xFFFF  }
0x4b: {  	_ =	shalt  }

</sc_bundles>
